<compile_context>
chip_gen: v7x
topology: tpu7x:2x2x1
jax: 0.10.2.dev20260603
libtpu: 0.0.44.dev20260713+nightly
codegen_flags: <defaults>
</compile_context>

<pallas_src>
import jax
import jax.numpy as jnp
from jax import lax
from jax.experimental import pallas as pl
from jax.experimental.pallas import tpu as pltpu
from jax.experimental.pallas import tpu_sc as plsc

_E = 3_200_000
_D = 16
_NC = 2
_NS = 16
_NW = _NC * _NS
_B = 1_280
_NBLK = _E // _B
_L = 16


def _sc_body(edge_hbm, table_hbm, out_hbm, table_v, ij_v, rows_v,
             isem0, isem1, osem0, osem1):
    wid = lax.axis_index("s") * _NC + lax.axis_index("c")
    isems = (isem0, isem1)
    osems = (osem0, osem1)
    pltpu.sync_copy(table_hbm, table_v)

    def start_in(i, h):
        g = wid + i * _NW

        @pl.when(g < _NBLK)
        def _():
            base = g * _B
            pltpu.async_copy(edge_hbm.at[:, pl.ds(base, _B)], ij_v.at[h],
                             isems[h])

    def wait_in(h):
        pltpu.make_async_copy(edge_hbm.at[:, pl.ds(0, _B)], ij_v.at[h],
                              isems[h]).wait()

    def wait_out(h):
        pltpu.make_async_copy(rows_v.at[h], out_hbm.at[:, pl.ds(0, _B)],
                              osems[h]).wait()

    start_in(0, 0)
    start_in(1, 1)

    def pair(k, carry):
        for h in (0, 1):
            i = 2 * k + h
            g = wid + i * _NW

            @pl.when(g < _NBLK)
            def _():
                base = g * _B
                wait_in(h)

                @pl.when(k > 0)
                def _():
                    wait_out(h)

                @plsc.parallel_loop(0, _B // _L, 1, unroll=4)
                def grp(j):
                    o = j * _L
                    a = jnp.abs(ij_v[h, 0, pl.ds(o, _L)] -
                                ij_v[h, 1, pl.ds(o, _L)])
                    t = jnp.maximum(a - 1, 0).astype(jnp.float32)
                    bits = lax.bitcast_convert_type(t, jnp.int32)
                    codes = jnp.maximum((bits >> 23) - 126, 0)
                    for d in range(_D):
                        rows_v[h, d, pl.ds(o, _L)] = plsc.load_gather(
                            table_v, [codes + (d * 128)])

                pltpu.async_copy(rows_v.at[h], out_hbm.at[:, pl.ds(base, _B)],
                                 osems[h])
                start_in(i + 2, h)
        return carry

    lax.fori_loop(0, (_NBLK // _NW + 2) // 2, pair, 0)
    wait_out(0)
    wait_out(1)


def kernel(edge_index, emb_weight):
    table_t = jnp.zeros((_D, 128), jnp.float32).at[:, :18].set(emb_weight.T)
    run = pl.kernel(
        _sc_body,
        out_type=jax.ShapeDtypeStruct((_D, _E), jnp.float32),
        mesh=plsc.VectorSubcoreMesh(core_axis_name="c", subcore_axis_name="s"),
        compiler_params=pltpu.CompilerParams(
            use_tc_tiling_on_sc=True, needs_layout_passes=False),
        scratch_types=[
            pltpu.VMEM((_D * 128,), jnp.float32),
            pltpu.VMEM((2, 2, _B), jnp.int32),
            pltpu.VMEM((2, _D, _B), jnp.float32),
            pltpu.SemaphoreType.DMA,
            pltpu.SemaphoreType.DMA,
            pltpu.SemaphoreType.DMA,
            pltpu.SemaphoreType.DMA,
        ],
    )
    out_t = run(edge_index, table_t.reshape(-1))
    return out_t.T

# --- scband reference (transcript-rebuilt; emitter-appended) ---
"""Pipeline reference for scband-separation-embedding-22986664968608 (READ-ONLY COPY).

The authoritative reference and input builder live on the scoring server;
editing this copy changes nothing except your own understanding.
"""

import jax, jax.numpy as jnp
import numpy as np

BINS = jnp.array([1, 2, 4, 8, 16, 32, 64, 128, 256, 512, 1024, 2048, 4096, 8192, 16384, 32768, 65536], dtype=jnp.int32)
EMBEDDING_DIM = 16
NUM_EMBEDDINGS = BINS.shape[0] + 1  # len(bins) + 1 = 18
N_NODES = 100000
N_EDGES = 3200000


def setup_inputs(seed: int = 0) -> dict:
    key = jax.random.key(seed)
    k1, k2 = jax.random.split(key)
    edge_index = jax.random.randint(k1, (2, N_EDGES), 0, N_NODES, dtype=jnp.int32)
    # learned parameter: embedding table, torch.nn.Embedding default init is N(0, 1)
    emb_weight = jax.random.normal(k2, (NUM_EMBEDDINGS, EMBEDDING_DIM), dtype=jnp.float32)
    return {"edge_index": edge_index, "emb_weight": emb_weight}


def reference(edge_index, emb_weight):
    # separation = edge_index[0] - edge_index[1]
    separation = edge_index[0] - edge_index[1]
    # np.digitize(|sep|, bins, right=True): code i s.t. bins[i-1] < |sep| <= bins[i]
    codes = jnp.digitize(jnp.abs(separation), BINS, right=True)
    # embedding lookup (gather)
    embeddings = jnp.take(emb_weight, codes, axis=0)
    return embeddings

if __name__ == "__main__":
    import jax
    _d = setup_inputs()
    print(jax.jit(kernel)(*tuple(_d.values())))

</pallas_src>

<mosaic_0001>
#map = affine_map<(d0, d1) -> (0, 0)>
#map1 = affine_map<(d0, d1) -> (0)>
module attributes {stable_mosaic.version = 14 : i64} {
  func.func @_sc_body(%arg0: i32, %arg1: i32, %arg2: memref<2x3200000xi32, #tpu.memory_space<hbm>>, %arg3: memref<2048xf32, #tpu.memory_space<hbm>>, %arg4: memref<16x3200000xf32, #tpu.memory_space<hbm>>, %arg5: memref<2048xf32, #tpu.memory_space<vmem>>, %arg6: memref<2x2x1280xi32, #tpu.memory_space<vmem>>, %arg7: memref<2x16x1280xf32, #tpu.memory_space<vmem>>, %arg8: memref<!tpu.dma_semaphore, #tpu.memory_space<semaphore_mem>>, %arg9: memref<!tpu.dma_semaphore, #tpu.memory_space<semaphore_mem>>, %arg10: memref<!tpu.dma_semaphore, #tpu.memory_space<semaphore_mem>>, %arg11: memref<!tpu.dma_semaphore, #tpu.memory_space<semaphore_mem>>) attributes {dimension_semantics = [#tpu.dimension_semantics<core_parallel>, #tpu.dimension_semantics<subcore_parallel>], iteration_bounds = array<i64: 2, 16>, scalar_prefetch = 0 : i64, scratch_operands = 7 : i64, tpu.core_type = #tpu.core_type<sc_vector_subcore>, window_params = [{transform_indices = #map}, {transform_indices = #map1}, {transform_indices = #map}]} {
    %mul3A = arith.constant 2 : i32
    %mul3A_0 = arith.muli %arg1, %mul3A : i32
    %add3A = arith.addi %mul3A_0, %arg0 : i32
    "tpu.region"() ({
      %run_scoped3A = tpu.sem_alloc : memref<!tpu.dma_semaphore, #tpu.memory_space<semaphore_mem>>
      tpu.enqueue_dma source(%arg3 : memref<2048xf32, #tpu.memory_space<hbm>>) target(%arg5 : memref<2048xf32, #tpu.memory_space<vmem>>) target_semaphore(%run_scoped3A : memref<!tpu.dma_semaphore, #tpu.memory_space<semaphore_mem>>)
      tpu.wait_dma2 semaphore(%run_scoped3A : memref<!tpu.dma_semaphore, #tpu.memory_space<semaphore_mem>>) src(%arg3 : memref<2048xf32, #tpu.memory_space<hbm>>) dst(%arg5 : memref<2048xf32, #tpu.memory_space<vmem>>)
      tpu.yield
    }) : () -> ()
    %add3A_1 = arith.constant 0 : i32
    %add3A_2 = arith.addi %add3A, %add3A_1 : i32
    %lt3A = arith.constant 2500 : i32
    %lt3A_3 = arith.cmpi slt, %add3A_2, %lt3A : i32
    %convert_element_type3A = arith.extui %lt3A_3 : i1 to i32
    %cond3A = arith.constant 0 : i32
    %cond3A_4 = arith.cmpi ne, %convert_element_type3A, %cond3A : i32
    scf.if %cond3A_4 {
      %mul3A_46 = arith.constant 1280 : i32
      %mul3A_47 = arith.muli %add3A_2, %mul3A_46 : i32
      %dma_start3A = arith.constant 0 : i32
      %dma_start3A_48 = arith.constant 0 : i32
      %dma_start3A_49 = arith.constant 0 : i32
      %dma_start3A_50 = tpu.memref_slice %arg6[%dma_start3A, %dma_start3A_48, %dma_start3A_49] : memref<2x2x1280xi32, #tpu.memory_space<vmem>> -> memref<1x2x1280xi32, #tpu.memory_space<vmem>>
      %dma_start3A_51 = tpu.memref_squeeze %dma_start3A_50 : memref<1x2x1280xi32, #tpu.memory_space<vmem>> -> memref<2x1280xi32, #tpu.memory_space<vmem>>
      %dma_start3A_52 = arith.constant 0 : i32
      %dma_start3A_53 = tpu.memref_slice %arg2[%dma_start3A_52, %mul3A_47] : memref<2x3200000xi32, #tpu.memory_space<hbm>> -> memref<2x1280xi32, #tpu.memory_space<hbm>>
      %dma_start3A_54 = arith.constant 0 : i32
      %dma_start3A_55 = arith.constant 0 : i32
      %dma_start3A_56 = tpu.memref_slice %arg6[%dma_start3A, %dma_start3A_54, %dma_start3A_55] : memref<2x2x1280xi32, #tpu.memory_space<vmem>> -> memref<1x2x1280xi32, #tpu.memory_space<vmem>>
      %dma_start3A_57 = tpu.memref_squeeze %dma_start3A_56 : memref<1x2x1280xi32, #tpu.memory_space<vmem>> -> memref<2x1280xi32, #tpu.memory_space<vmem>>
      %dma_start3A_58 = arith.constant 0 : i32
      %dma_start3A_59 = tpu.memref_slice %arg2[%dma_start3A_58, %mul3A_47] : memref<2x3200000xi32, #tpu.memory_space<hbm>> -> memref<2x1280xi32, #tpu.memory_space<hbm>>
      tpu.enqueue_dma source(%dma_start3A_59 : memref<2x1280xi32, #tpu.memory_space<hbm>>) target(%dma_start3A_57 : memref<2x1280xi32, #tpu.memory_space<vmem>>) target_semaphore(%arg8 : memref<!tpu.dma_semaphore, #tpu.memory_space<semaphore_mem>>)
    } else {
    }
    %add3A_5 = arith.constant 32 : i32
    %add3A_6 = arith.addi %add3A, %add3A_5 : i32
    %lt3A_7 = arith.constant 2500 : i32
    %lt3A_8 = arith.cmpi slt, %add3A_6, %lt3A_7 : i32
    %convert_element_type3A_9 = arith.extui %lt3A_8 : i1 to i32
    %cond3A_10 = arith.constant 0 : i32
    %cond3A_11 = arith.cmpi ne, %convert_element_type3A_9, %cond3A_10 : i32
    scf.if %cond3A_11 {
      %mul3A_46 = arith.constant 1280 : i32
      %mul3A_47 = arith.muli %add3A_6, %mul3A_46 : i32
      %dma_start3A = arith.constant 1 : i32
      %dma_start3A_48 = arith.constant 0 : i32
      %dma_start3A_49 = arith.constant 0 : i32
      %dma_start3A_50 = tpu.memref_slice %arg6[%dma_start3A, %dma_start3A_48, %dma_start3A_49] : memref<2x2x1280xi32, #tpu.memory_space<vmem>> -> memref<1x2x1280xi32, #tpu.memory_space<vmem>>
      %dma_start3A_51 = tpu.memref_squeeze %dma_start3A_50 : memref<1x2x1280xi32, #tpu.memory_space<vmem>> -> memref<2x1280xi32, #tpu.memory_space<vmem>>
      %dma_start3A_52 = arith.constant 0 : i32
      %dma_start3A_53 = tpu.memref_slice %arg2[%dma_start3A_52, %mul3A_47] : memref<2x3200000xi32, #tpu.memory_space<hbm>> -> memref<2x1280xi32, #tpu.memory_space<hbm>>
      %dma_start3A_54 = arith.constant 0 : i32
      %dma_start3A_55 = arith.constant 0 : i32
      %dma_start3A_56 = tpu.memref_slice %arg6[%dma_start3A, %dma_start3A_54, %dma_start3A_55] : memref<2x2x1280xi32, #tpu.memory_space<vmem>> -> memref<1x2x1280xi32, #tpu.memory_space<vmem>>
      %dma_start3A_57 = tpu.memref_squeeze %dma_start3A_56 : memref<1x2x1280xi32, #tpu.memory_space<vmem>> -> memref<2x1280xi32, #tpu.memory_space<vmem>>
      %dma_start3A_58 = arith.constant 0 : i32
      %dma_start3A_59 = tpu.memref_slice %arg2[%dma_start3A_58, %mul3A_47] : memref<2x3200000xi32, #tpu.memory_space<hbm>> -> memref<2x1280xi32, #tpu.memory_space<hbm>>
      tpu.enqueue_dma source(%dma_start3A_59 : memref<2x1280xi32, #tpu.memory_space<hbm>>) target(%dma_start3A_57 : memref<2x1280xi32, #tpu.memory_space<vmem>>) target_semaphore(%arg9 : memref<!tpu.dma_semaphore, #tpu.memory_space<semaphore_mem>>)
    } else {
    }
    %scan3A = arith.constant 0 : i32
    %scan3A_12 = arith.constant 0 : i32
    %scan3A_13 = arith.constant 40 : i32
    %scan3A_14 = arith.addi %scan3A_12, %scan3A_13 : i32
    %scan3A_15 = arith.constant 1 : i32
    scf.for %scan3A_46 = %scan3A_12 to %scan3A_14 step %scan3A_15  : i32 {
      %mul3A_47 = arith.constant 2 : i32
      %mul3A_48 = arith.muli %mul3A_47, %scan3A_46 : i32
      %add3A_49 = arith.constant 0 : i32
      %add3A_50 = arith.addi %mul3A_48, %add3A_49 : i32
      %mul3A_51 = arith.constant 32 : i32
      %mul3A_52 = arith.muli %add3A_50, %mul3A_51 : i32
      %add3A_53 = arith.addi %add3A, %mul3A_52 : i32
      %lt3A_54 = arith.constant 2500 : i32
      %lt3A_55 = arith.cmpi slt, %add3A_53, %lt3A_54 : i32
      %convert_element_type3A_56 = arith.extui %lt3A_55 : i1 to i32
      %cond3A_57 = arith.constant 0 : i32
      %cond3A_58 = arith.cmpi ne, %convert_element_type3A_56, %cond3A_57 : i32
      scf.if %cond3A_58 {
        %mul3A_71 = arith.constant 1280 : i32
        %mul3A_72 = arith.muli %add3A_53, %mul3A_71 : i32
        %dma_wait3A_73 = arith.constant 0 : i32
        %dma_wait3A_74 = arith.constant 0 : i32
        %dma_wait3A_75 = arith.constant 0 : i32
        %dma_wait3A_76 = tpu.memref_slice %arg6[%dma_wait3A_73, %dma_wait3A_74, %dma_wait3A_75] : memref<2x2x1280xi32, #tpu.memory_space<vmem>> -> memref<1x2x1280xi32, #tpu.memory_space<vmem>>
        %dma_wait3A_77 = tpu.memref_squeeze %dma_wait3A_76 : memref<1x2x1280xi32, #tpu.memory_space<vmem>> -> memref<2x1280xi32, #tpu.memory_space<vmem>>
        %dma_wait3A_78 = arith.constant 0 : i32
        %dma_wait3A_79 = arith.constant 0 : i32
        %dma_wait3A_80 = tpu.memref_slice %arg2[%dma_wait3A_78, %dma_wait3A_79] : memref<2x3200000xi32, #tpu.memory_space<hbm>> -> memref<2x1280xi32, #tpu.memory_space<hbm>>
        %dma_wait3A_81 = arith.constant 0 : i32
        %dma_wait3A_82 = arith.constant 0 : i32
        %dma_wait3A_83 = tpu.memref_slice %arg6[%dma_wait3A_73, %dma_wait3A_81, %dma_wait3A_82] : memref<2x2x1280xi32, #tpu.memory_space<vmem>> -> memref<1x2x1280xi32, #tpu.memory_space<vmem>>
        %dma_wait3A_84 = tpu.memref_squeeze %dma_wait3A_83 : memref<1x2x1280xi32, #tpu.memory_space<vmem>> -> memref<2x1280xi32, #tpu.memory_space<vmem>>
        %dma_wait3A_85 = arith.constant 0 : i32
        %dma_wait3A_86 = arith.constant 0 : i32
        %dma_wait3A_87 = tpu.memref_slice %arg2[%dma_wait3A_85, %dma_wait3A_86] : memref<2x3200000xi32, #tpu.memory_space<hbm>> -> memref<2x1280xi32, #tpu.memory_space<hbm>>
        tpu.wait_dma2 semaphore(%arg8 : memref<!tpu.dma_semaphore, #tpu.memory_space<semaphore_mem>>) src(%dma_wait3A_87 : memref<2x1280xi32, #tpu.memory_space<hbm>>) dst(%dma_wait3A_84 : memref<2x1280xi32, #tpu.memory_space<vmem>>)
        %gt3A = arith.constant 0 : i32
        %gt3A_88 = arith.cmpi sgt, %scan3A_46, %gt3A : i32
        %convert_element_type3A_89 = arith.extui %gt3A_88 : i1 to i32
        %cond3A_90 = arith.constant 0 : i32
        %cond3A_91 = arith.cmpi ne, %convert_element_type3A_89, %cond3A_90 : i32
        scf.if %cond3A_91 {
          %dma_wait3A_116 = arith.constant 0 : i32
          %dma_wait3A_117 = arith.constant 0 : i32
          %dma_wait3A_118 = arith.constant 0 : i32
          %dma_wait3A_119 = tpu.memref_slice %arg7[%dma_wait3A_116, %dma_wait3A_117, %dma_wait3A_118] : memref<2x16x1280xf32, #tpu.memory_space<vmem>> -> memref<1x16x1280xf32, #tpu.memory_space<vmem>>
          %dma_wait3A_120 = tpu.memref_squeeze %dma_wait3A_119 : memref<1x16x1280xf32, #tpu.memory_space<vmem>> -> memref<16x1280xf32, #tpu.memory_space<vmem>>
          %dma_wait3A_121 = arith.constant 0 : i32
          %dma_wait3A_122 = arith.constant 0 : i32
          %dma_wait3A_123 = tpu.memref_slice %arg4[%dma_wait3A_121, %dma_wait3A_122] : memref<16x3200000xf32, #tpu.memory_space<hbm>> -> memref<16x1280xf32, #tpu.memory_space<hbm>>
          %dma_wait3A_124 = arith.constant 0 : i32
          %dma_wait3A_125 = arith.constant 0 : i32
          %dma_wait3A_126 = tpu.memref_slice %arg4[%dma_wait3A_124, %dma_wait3A_125] : memref<16x3200000xf32, #tpu.memory_space<hbm>> -> memref<16x1280xf32, #tpu.memory_space<hbm>>
          %dma_wait3A_127 = arith.constant 0 : i32
          %dma_wait3A_128 = arith.constant 0 : i32
          %dma_wait3A_129 = tpu.memref_slice %arg7[%dma_wait3A_116, %dma_wait3A_127, %dma_wait3A_128] : memref<2x16x1280xf32, #tpu.memory_space<vmem>> -> memref<1x16x1280xf32, #tpu.memory_space<vmem>>
          %dma_wait3A_130 = tpu.memref_squeeze %dma_wait3A_129 : memref<1x16x1280xf32, #tpu.memory_space<vmem>> -> memref<16x1280xf32, #tpu.memory_space<vmem>>
          tpu.wait_dma2 semaphore(%arg10 : memref<!tpu.dma_semaphore, #tpu.memory_space<semaphore_mem>>) src(%dma_wait3A_130 : memref<16x1280xf32, #tpu.memory_space<vmem>>) dst(%dma_wait3A_126 : memref<16x1280xf32, #tpu.memory_space<hbm>>)
        } else {
        }
        %parallel_loop3A = arith.constant 0 : i32
        %parallel_loop3A_92 = arith.constant 80 : i32
        %parallel_loop3A_93 = arith.constant 1 : i32
        scf.for %parallel_loop3A_116 = %parallel_loop3A to %parallel_loop3A_92 step %parallel_loop3A_93  : i32 {
          %parallel_loop3A_117 = arith.constant 16 : i32
          %parallel_loop3A_118 = arith.muli %parallel_loop3A_116, %parallel_loop3A_117 : i32
          %parallel_loop3A_119 = arith.constant 0 : i32
          %parallel_loop3A_120 = arith.constant 0 : i32
          %parallel_loop3A_121 = arith.index_cast %parallel_loop3A_119 : i32 to index
          %parallel_loop3A_122 = arith.index_cast %parallel_loop3A_120 : i32 to index
          %parallel_loop3A_123 = arith.index_cast %parallel_loop3A_118 : i32 to index
          %parallel_loop3A_124 = tpu.vector_load %arg6[%parallel_loop3A_121, %parallel_loop3A_122, %parallel_loop3A_123] {strides = array<i32>} : memref<2x2x1280xi32, #tpu.memory_space<vmem>>, vector<16xi32>,
          %parallel_loop3A_125 = arith.constant 0 : i32
          %parallel_loop3A_126 = arith.constant 1 : i32
          %parallel_loop3A_127 = arith.index_cast %parallel_loop3A_125 : i32 to index
          %parallel_loop3A_128 = arith.index_cast %parallel_loop3A_126 : i32 to index
          %parallel_loop3A_129 = arith.index_cast %parallel_loop3A_118 : i32 to index
          %parallel_loop3A_130 = tpu.vector_load %arg6[%parallel_loop3A_127, %parallel_loop3A_128, %parallel_loop3A_129] {strides = array<i32>} : memref<2x2x1280xi32, #tpu.memory_space<vmem>>, vector<16xi32>,
          %parallel_loop3A_131 = arith.subi %parallel_loop3A_124, %parallel_loop3A_130 : vector<16xi32>
          %parallel_loop3A_132 = math.absi %parallel_loop3A_131 : vector<16xi32>
          %parallel_loop3A_133 = arith.constant 1 : i32
          %parallel_loop3A_134 = vector.broadcast %parallel_loop3A_133 : i32 to vector<16xi32>
          %parallel_loop3A_135 = arith.subi %parallel_loop3A_132, %parallel_loop3A_134 : vector<16xi32>
          %parallel_loop3A_136 = arith.constant 0 : i32
          %parallel_loop3A_137 = vector.broadcast %parallel_loop3A_136 : i32 to vector<16xi32>
          %parallel_loop3A_138 = arith.maxsi %parallel_loop3A_135, %parallel_loop3A_137 : vector<16xi32>
          %parallel_loop3A_139 = arith.sitofp %parallel_loop3A_138 : vector<16xi32> to vector<16xf32>
          %parallel_loop3A_140 = tpu.bitcast %parallel_loop3A_139 : vector<16xf32> -> vector<16xi32>
          %parallel_loop3A_141 = arith.constant 23 : i32
          %parallel_loop3A_142 = vector.broadcast %parallel_loop3A_141 : i32 to vector<16xi32>
          %parallel_loop3A_143 = arith.shrsi %parallel_loop3A_140, %parallel_loop3A_142 : vector<16xi32>
          %parallel_loop3A_144 = arith.constant 126 : i32
          %parallel_loop3A_145 = vector.broadcast %parallel_loop3A_144 : i32 to vector<16xi32>
          %parallel_loop3A_146 = arith.subi %parallel_loop3A_143, %parallel_loop3A_145 : vector<16xi32>
          %parallel_loop3A_147 = arith.constant 0 : i32
          %parallel_loop3A_148 = vector.broadcast %parallel_loop3A_147 : i32 to vector<16xi32>
          %parallel_loop3A_149 = arith.maxsi %parallel_loop3A_146, %parallel_loop3A_148 : vector<16xi32>
          %parallel_loop3A_150 = arith.constant 0 : i32
          %parallel_loop3A_151 = vector.broadcast %parallel_loop3A_150 : i32 to vector<16xi32>
          %parallel_loop3A_152 = arith.addi %parallel_loop3A_149, %parallel_loop3A_151 : vector<16xi32>
          %parallel_loop3A_153 = tpu.vector_load_idx %arg5[%parallel_loop3A_152] : memref<2048xf32, #tpu.memory_space<vmem>>[vector<16xi32>], vector<16xf32>,
          %parallel_loop3A_154 = arith.constant 0 : i32
          %parallel_loop3A_155 = arith.constant 0 : i32
          %parallel_loop3A_156 = arith.index_cast %parallel_loop3A_154 : i32 to index
          %parallel_loop3A_157 = arith.index_cast %parallel_loop3A_155 : i32 to index
          %parallel_loop3A_158 = arith.index_cast %parallel_loop3A_118 : i32 to index
          %parallel_loop3A_159 = tpu.vector_load %arg7[%parallel_loop3A_156, %parallel_loop3A_157, %parallel_loop3A_158] {strides = array<i32>} : memref<2x16x1280xf32, #tpu.memory_space<vmem>>, vector<16xf32>,
          tpu.vector_store %arg7[%parallel_loop3A_156, %parallel_loop3A_157, %parallel_loop3A_158], %parallel_loop3A_153 {strides = array<i32>} : memref<2x16x1280xf32, #tpu.memory_space<vmem>>, vector<16xf32>,
          %parallel_loop3A_160 = arith.constant 128 : i32
          %parallel_loop3A_161 = vector.broadcast %parallel_loop3A_160 : i32 to vector<16xi32>
          %parallel_loop3A_162 = arith.addi %parallel_loop3A_149, %parallel_loop3A_161 : vector<16xi32>
          %parallel_loop3A_163 = tpu.vector_load_idx %arg5[%parallel_loop3A_162] : memref<2048xf32, #tpu.memory_space<vmem>>[vector<16xi32>], vector<16xf32>,
          %parallel_loop3A_164 = arith.constant 0 : i32
          %parallel_loop3A_165 = arith.constant 1 : i32
          %parallel_loop3A_166 = arith.index_cast %parallel_loop3A_164 : i32 to index
          %parallel_loop3A_167 = arith.index_cast %parallel_loop3A_165 : i32 to index
          %parallel_loop3A_168 = arith.index_cast %parallel_loop3A_118 : i32 to index
          %parallel_loop3A_169 = tpu.vector_load %arg7[%parallel_loop3A_166, %parallel_loop3A_167, %parallel_loop3A_168] {strides = array<i32>} : memref<2x16x1280xf32, #tpu.memory_space<vmem>>, vector<16xf32>,
          tpu.vector_store %arg7[%parallel_loop3A_166, %parallel_loop3A_167, %parallel_loop3A_168], %parallel_loop3A_163 {strides = array<i32>} : memref<2x16x1280xf32, #tpu.memory_space<vmem>>, vector<16xf32>,
          %parallel_loop3A_170 = arith.constant 256 : i32
          %parallel_loop3A_171 = vector.broadcast %parallel_loop3A_170 : i32 to vector<16xi32>
          %parallel_loop3A_172 = arith.addi %parallel_loop3A_149, %parallel_loop3A_171 : vector<16xi32>
          %parallel_loop3A_173 = tpu.vector_load_idx %arg5[%parallel_loop3A_172] : memref<2048xf32, #tpu.memory_space<vmem>>[vector<16xi32>], vector<16xf32>,
          %parallel_loop3A_174 = arith.constant 0 : i32
          %parallel_loop3A_175 = arith.constant 2 : i32
          %parallel_loop3A_176 = arith.index_cast %parallel_loop3A_174 : i32 to index
          %parallel_loop3A_177 = arith.index_cast %parallel_loop3A_175 : i32 to index
          %parallel_loop3A_178 = arith.index_cast %parallel_loop3A_118 : i32 to index
          %parallel_loop3A_179 = tpu.vector_load %arg7[%parallel_loop3A_176, %parallel_loop3A_177, %parallel_loop3A_178] {strides = array<i32>} : memref<2x16x1280xf32, #tpu.memory_space<vmem>>, vector<16xf32>,
          tpu.vector_store %arg7[%parallel_loop3A_176, %parallel_loop3A_177, %parallel_loop3A_178], %parallel_loop3A_173 {strides = array<i32>} : memref<2x16x1280xf32, #tpu.memory_space<vmem>>, vector<16xf32>,
          %parallel_loop3A_180 = arith.constant 384 : i32
          %parallel_loop3A_181 = vector.broadcast %parallel_loop3A_180 : i32 to vector<16xi32>
          %parallel_loop3A_182 = arith.addi %parallel_loop3A_149, %parallel_loop3A_181 : vector<16xi32>
          %parallel_loop3A_183 = tpu.vector_load_idx %arg5[%parallel_loop3A_182] : memref<2048xf32, #tpu.memory_space<vmem>>[vector<16xi32>], vector<16xf32>,
          %parallel_loop3A_184 = arith.constant 0 : i32
          %parallel_loop3A_185 = arith.constant 3 : i32
          %parallel_loop3A_186 = arith.index_cast %parallel_loop3A_184 : i32 to index
          %parallel_loop3A_187 = arith.index_cast %parallel_loop3A_185 : i32 to index
          %parallel_loop3A_188 = arith.index_cast %parallel_loop3A_118 : i32 to index
          %parallel_loop3A_189 = tpu.vector_load %arg7[%parallel_loop3A_186, %parallel_loop3A_187, %parallel_loop3A_188] {strides = array<i32>} : memref<2x16x1280xf32, #tpu.memory_space<vmem>>, vector<16xf32>,
          tpu.vector_store %arg7[%parallel_loop3A_186, %parallel_loop3A_187, %parallel_loop3A_188], %parallel_loop3A_183 {strides = array<i32>} : memref<2x16x1280xf32, #tpu.memory_space<vmem>>, vector<16xf32>,
          %parallel_loop3A_190 = arith.constant 512 : i32
          %parallel_loop3A_191 = vector.broadcast %parallel_loop3A_190 : i32 to vector<16xi32>
          %parallel_loop3A_192 = arith.addi %parallel_loop3A_149, %parallel_loop3A_191 : vector<16xi32>
          %parallel_loop3A_193 = tpu.vector_load_idx %arg5[%parallel_loop3A_192] : memref<2048xf32, #tpu.memory_space<vmem>>[vector<16xi32>], vector<16xf32>,
          %parallel_loop3A_194 = arith.constant 0 : i32
          %parallel_loop3A_195 = arith.constant 4 : i32
          %parallel_loop3A_196 = arith.index_cast %parallel_loop3A_194 : i32 to index
          %parallel_loop3A_197 = arith.index_cast %parallel_loop3A_195 : i32 to index
          %parallel_loop3A_198 = arith.index_cast %parallel_loop3A_118 : i32 to index
          %parallel_loop3A_199 = tpu.vector_load %arg7[%parallel_loop3A_196, %parallel_loop3A_197, %parallel_loop3A_198] {strides = array<i32>} : memref<2x16x1280xf32, #tpu.memory_space<vmem>>, vector<16xf32>,
          tpu.vector_store %arg7[%parallel_loop3A_196, %parallel_loop3A_197, %parallel_loop3A_198], %parallel_loop3A_193 {strides = array<i32>} : memref<2x16x1280xf32, #tpu.memory_space<vmem>>, vector<16xf32>,
          %parallel_loop3A_200 = arith.constant 640 : i32
          %parallel_loop3A_201 = vector.broadcast %parallel_loop3A_200 : i32 to vector<16xi32>
          %parallel_loop3A_202 = arith.addi %parallel_loop3A_149, %parallel_loop3A_201 : vector<16xi32>
          %parallel_loop3A_203 = tpu.vector_load_idx %arg5[%parallel_loop3A_202] : memref<2048xf32, #tpu.memory_space<vmem>>[vector<16xi32>], vector<16xf32>,
          %parallel_loop3A_204 = arith.constant 0 : i32
          %parallel_loop3A_205 = arith.constant 5 : i32
          %parallel_loop3A_206 = arith.index_cast %parallel_loop3A_204 : i32 to index
          %parallel_loop3A_207 = arith.index_cast %parallel_loop3A_205 : i32 to index
          %parallel_loop3A_208 = arith.index_cast %parallel_loop3A_118 : i32 to index
          %parallel_loop3A_209 = tpu.vector_load %arg7[%parallel_loop3A_206, %parallel_loop3A_207, %parallel_loop3A_208] {strides = array<i32>} : memref<2x16x1280xf32, #tpu.memory_space<vmem>>, vector<16xf32>,
          tpu.vector_store %arg7[%parallel_loop3A_206, %parallel_loop3A_207, %parallel_loop3A_208], %parallel_loop3A_203 {strides = array<i32>} : memref<2x16x1280xf32, #tpu.memory_space<vmem>>, vector<16xf32>,
          %parallel_loop3A_210 = arith.constant 768 : i32
          %parallel_loop3A_211 = vector.broadcast %parallel_loop3A_210 : i32 to vector<16xi32>
          %parallel_loop3A_212 = arith.addi %parallel_loop3A_149, %parallel_loop3A_211 : vector<16xi32>
          %parallel_loop3A_213 = tpu.vector_load_idx %arg5[%parallel_loop3A_212] : memref<2048xf32, #tpu.memory_space<vmem>>[vector<16xi32>], vector<16xf32>,
          %parallel_loop3A_214 = arith.constant 0 : i32
          %parallel_loop3A_215 = arith.constant 6 : i32
          %parallel_loop3A_216 = arith.index_cast %parallel_loop3A_214 : i32 to index
          %parallel_loop3A_217 = arith.index_cast %parallel_loop3A_215 : i32 to index
          %parallel_loop3A_218 = arith.index_cast %parallel_loop3A_118 : i32 to index
          %parallel_loop3A_219 = tpu.vector_load %arg7[%parallel_loop3A_216, %parallel_loop3A_217, %parallel_loop3A_218] {strides = array<i32>} : memref<2x16x1280xf32, #tpu.memory_space<vmem>>, vector<16xf32>,
          tpu.vector_store %arg7[%parallel_loop3A_216, %parallel_loop3A_217, %parallel_loop3A_218], %parallel_loop3A_213 {strides = array<i32>} : memref<2x16x1280xf32, #tpu.memory_space<vmem>>, vector<16xf32>,
          %parallel_loop3A_220 = arith.constant 896 : i32
          %parallel_loop3A_221 = vector.broadcast %parallel_loop3A_220 : i32 to vector<16xi32>
          %parallel_loop3A_222 = arith.addi %parallel_loop3A_149, %parallel_loop3A_221 : vector<16xi32>
          %parallel_loop3A_223 = tpu.vector_load_idx %arg5[%parallel_loop3A_222] : memref<2048xf32, #tpu.memory_space<vmem>>[vector<16xi32>], vector<16xf32>,
          %parallel_loop3A_224 = arith.constant 0 : i32
          %parallel_loop3A_225 = arith.constant 7 : i32
          %parallel_loop3A_226 = arith.index_cast %parallel_loop3A_224 : i32 to index
          %parallel_loop3A_227 = arith.index_cast %parallel_loop3A_225 : i32 to index
          %parallel_loop3A_228 = arith.index_cast %parallel_loop3A_118 : i32 to index
          %parallel_loop3A_229 = tpu.vector_load %arg7[%parallel_loop3A_226, %parallel_loop3A_227, %parallel_loop3A_228] {strides = array<i32>} : memref<2x16x1280xf32, #tpu.memory_space<vmem>>, vector<16xf32>,
          tpu.vector_store %arg7[%parallel_loop3A_226, %parallel_loop3A_227, %parallel_loop3A_228], %parallel_loop3A_223 {strides = array<i32>} : memref<2x16x1280xf32, #tpu.memory_space<vmem>>, vector<16xf32>,
          %parallel_loop3A_230 = arith.constant 1024 : i32
          %parallel_loop3A_231 = vector.broadcast %parallel_loop3A_230 : i32 to vector<16xi32>
          %parallel_loop3A_232 = arith.addi %parallel_loop3A_149, %parallel_loop3A_231 : vector<16xi32>
          %parallel_loop3A_233 = tpu.vector_load_idx %arg5[%parallel_loop3A_232] : memref<2048xf32, #tpu.memory_space<vmem>>[vector<16xi32>], vector<16xf32>,
          %parallel_loop3A_234 = arith.constant 0 : i32
          %parallel_loop3A_235 = arith.constant 8 : i32
          %parallel_loop3A_236 = arith.index_cast %parallel_loop3A_234 : i32 to index
          %parallel_loop3A_237 = arith.index_cast %parallel_loop3A_235 : i32 to index
          %parallel_loop3A_238 = arith.index_cast %parallel_loop3A_118 : i32 to index
          %parallel_loop3A_239 = tpu.vector_load %arg7[%parallel_loop3A_236, %parallel_loop3A_237, %parallel_loop3A_238] {strides = array<i32>} : memref<2x16x1280xf32, #tpu.memory_space<vmem>>, vector<16xf32>,
          tpu.vector_store %arg7[%parallel_loop3A_236, %parallel_loop3A_237, %parallel_loop3A_238], %parallel_loop3A_233 {strides = array<i32>} : memref<2x16x1280xf32, #tpu.memory_space<vmem>>, vector<16xf32>,
          %parallel_loop3A_240 = arith.constant 1152 : i32
          %parallel_loop3A_241 = vector.broadcast %parallel_loop3A_240 : i32 to vector<16xi32>
          %parallel_loop3A_242 = arith.addi %parallel_loop3A_149, %parallel_loop3A_241 : vector<16xi32>
          %parallel_loop3A_243 = tpu.vector_load_idx %arg5[%parallel_loop3A_242] : memref<2048xf32, #tpu.memory_space<vmem>>[vector<16xi32>], vector<16xf32>,
          %parallel_loop3A_244 = arith.constant 0 : i32
          %parallel_loop3A_245 = arith.constant 9 : i32
          %parallel_loop3A_246 = arith.index_cast %parallel_loop3A_244 : i32 to index
          %parallel_loop3A_247 = arith.index_cast %parallel_loop3A_245 : i32 to index
          %parallel_loop3A_248 = arith.index_cast %parallel_loop3A_118 : i32 to index
          %parallel_loop3A_249 = tpu.vector_load %arg7[%parallel_loop3A_246, %parallel_loop3A_247, %parallel_loop3A_248] {strides = array<i32>} : memref<2x16x1280xf32, #tpu.memory_space<vmem>>, vector<16xf32>,
          tpu.vector_store %arg7[%parallel_loop3A_246, %parallel_loop3A_247, %parallel_loop3A_248], %parallel_loop3A_243 {strides = array<i32>} : memref<2x16x1280xf32, #tpu.memory_space<vmem>>, vector<16xf32>,
          %parallel_loop3A_250 = arith.constant 1280 : i32
          %parallel_loop3A_251 = vector.broadcast %parallel_loop3A_250 : i32 to vector<16xi32>
          %parallel_loop3A_252 = arith.addi %parallel_loop3A_149, %parallel_loop3A_251 : vector<16xi32>
          %parallel_loop3A_253 = tpu.vector_load_idx %arg5[%parallel_loop3A_252] : memref<2048xf32, #tpu.memory_space<vmem>>[vector<16xi32>], vector<16xf32>,
          %parallel_loop3A_254 = arith.constant 0 : i32
          %parallel_loop3A_255 = arith.constant 10 : i32
          %parallel_loop3A_256 = arith.index_cast %parallel_loop3A_254 : i32 to index
          %parallel_loop3A_257 = arith.index_cast %parallel_loop3A_255 : i32 to index
          %parallel_loop3A_258 = arith.index_cast %parallel_loop3A_118 : i32 to index
          %parallel_loop3A_259 = tpu.vector_load %arg7[%parallel_loop3A_256, %parallel_loop3A_257, %parallel_loop3A_258] {strides = array<i32>} : memref<2x16x1280xf32, #tpu.memory_space<vmem>>, vector<16xf32>,
          tpu.vector_store %arg7[%parallel_loop3A_256, %parallel_loop3A_257, %parallel_loop3A_258], %parallel_loop3A_253 {strides = array<i32>} : memref<2x16x1280xf32, #tpu.memory_space<vmem>>, vector<16xf32>,
          %parallel_loop3A_260 = arith.constant 1408 : i32
          %parallel_loop3A_261 = vector.broadcast %parallel_loop3A_260 : i32 to vector<16xi32>
          %parallel_loop3A_262 = arith.addi %parallel_loop3A_149, %parallel_loop3A_261 : vector<16xi32>
          %parallel_loop3A_263 = tpu.vector_load_idx %arg5[%parallel_loop3A_262] : memref<2048xf32, #tpu.memory_space<vmem>>[vector<16xi32>], vector<16xf32>,
          %parallel_loop3A_264 = arith.constant 0 : i32
          %parallel_loop3A_265 = arith.constant 11 : i32
          %parallel_loop3A_266 = arith.index_cast %parallel_loop3A_264 : i32 to index
          %parallel_loop3A_267 = arith.index_cast %parallel_loop3A_265 : i32 to index
          %parallel_loop3A_268 = arith.index_cast %parallel_loop3A_118 : i32 to index
          %parallel_loop3A_269 = tpu.vector_load %arg7[%parallel_loop3A_266, %parallel_loop3A_267, %parallel_loop3A_268] {strides = array<i32>} : memref<2x16x1280xf32, #tpu.memory_space<vmem>>, vector<16xf32>,
          tpu.vector_store %arg7[%parallel_loop3A_266, %parallel_loop3A_267, %parallel_loop3A_268], %parallel_loop3A_263 {strides = array<i32>} : memref<2x16x1280xf32, #tpu.memory_space<vmem>>, vector<16xf32>,
          %parallel_loop3A_270 = arith.constant 1536 : i32
          %parallel_loop3A_271 = vector.broadcast %parallel_loop3A_270 : i32 to vector<16xi32>
          %parallel_loop3A_272 = arith.addi %parallel_loop3A_149, %parallel_loop3A_271 : vector<16xi32>
          %parallel_loop3A_273 = tpu.vector_load_idx %arg5[%parallel_loop3A_272] : memref<2048xf32, #tpu.memory_space<vmem>>[vector<16xi32>], vector<16xf32>,
          %parallel_loop3A_274 = arith.constant 0 : i32
          %parallel_loop3A_275 = arith.constant 12 : i32
          %parallel_loop3A_276 = arith.index_cast %parallel_loop3A_274 : i32 to index
          %parallel_loop3A_277 = arith.index_cast %parallel_loop3A_275 : i32 to index
          %parallel_loop3A_278 = arith.index_cast %parallel_loop3A_118 : i32 to index
          %parallel_loop3A_279 = tpu.vector_load %arg7[%parallel_loop3A_276, %parallel_loop3A_277, %parallel_loop3A_278] {strides = array<i32>} : memref<2x16x1280xf32, #tpu.memory_space<vmem>>, vector<16xf32>,
          tpu.vector_store %arg7[%parallel_loop3A_276, %parallel_loop3A_277, %parallel_loop3A_278], %parallel_loop3A_273 {strides = array<i32>} : memref<2x16x1280xf32, #tpu.memory_space<vmem>>, vector<16xf32>,
          %parallel_loop3A_280 = arith.constant 1664 : i32
          %parallel_loop3A_281 = vector.broadcast %parallel_loop3A_280 : i32 to vector<16xi32>
          %parallel_loop3A_282 = arith.addi %parallel_loop3A_149, %parallel_loop3A_281 : vector<16xi32>
          %parallel_loop3A_283 = tpu.vector_load_idx %arg5[%parallel_loop3A_282] : memref<2048xf32, #tpu.memory_space<vmem>>[vector<16xi32>], vector<16xf32>,
          %parallel_loop3A_284 = arith.constant 0 : i32
          %parallel_loop3A_285 = arith.constant 13 : i32
          %parallel_loop3A_286 = arith.index_cast %parallel_loop3A_284 : i32 to index
          %parallel_loop3A_287 = arith.index_cast %parallel_loop3A_285 : i32 to index
          %parallel_loop3A_288 = arith.index_cast %parallel_loop3A_118 : i32 to index
          %parallel_loop3A_289 = tpu.vector_load %arg7[%parallel_loop3A_286, %parallel_loop3A_287, %parallel_loop3A_288] {strides = array<i32>} : memref<2x16x1280xf32, #tpu.memory_space<vmem>>, vector<16xf32>,
          tpu.vector_store %arg7[%parallel_loop3A_286, %parallel_loop3A_287, %parallel_loop3A_288], %parallel_loop3A_283 {strides = array<i32>} : memref<2x16x1280xf32, #tpu.memory_space<vmem>>, vector<16xf32>,
          %parallel_loop3A_290 = arith.constant 1792 : i32
          %parallel_loop3A_291 = vector.broadcast %parallel_loop3A_290 : i32 to vector<16xi32>
          %parallel_loop3A_292 = arith.addi %parallel_loop3A_149, %parallel_loop3A_291 : vector<16xi32>
          %parallel_loop3A_293 = tpu.vector_load_idx %arg5[%parallel_loop3A_292] : memref<2048xf32, #tpu.memory_space<vmem>>[vector<16xi32>], vector<16xf32>,
          %parallel_loop3A_294 = arith.constant 0 : i32
          %parallel_loop3A_295 = arith.constant 14 : i32
          %parallel_loop3A_296 = arith.index_cast %parallel_loop3A_294 : i32 to index
          %parallel_loop3A_297 = arith.index_cast %parallel_loop3A_295 : i32 to index
          %parallel_loop3A_298 = arith.index_cast %parallel_loop3A_118 : i32 to index
          %parallel_loop3A_299 = tpu.vector_load %arg7[%parallel_loop3A_296, %parallel_loop3A_297, %parallel_loop3A_298] {strides = array<i32>} : memref<2x16x1280xf32, #tpu.memory_space<vmem>>, vector<16xf32>,
          tpu.vector_store %arg7[%parallel_loop3A_296, %parallel_loop3A_297, %parallel_loop3A_298], %parallel_loop3A_293 {strides = array<i32>} : memref<2x16x1280xf32, #tpu.memory_space<vmem>>, vector<16xf32>,
          %parallel_loop3A_300 = arith.constant 1920 : i32
          %parallel_loop3A_301 = vector.broadcast %parallel_loop3A_300 : i32 to vector<16xi32>
          %parallel_loop3A_302 = arith.addi %parallel_loop3A_149, %parallel_loop3A_301 : vector<16xi32>
          %parallel_loop3A_303 = tpu.vector_load_idx %arg5[%parallel_loop3A_302] : memref<2048xf32, #tpu.memory_space<vmem>>[vector<16xi32>], vector<16xf32>,
          %parallel_loop3A_304 = arith.constant 0 : i32
          %parallel_loop3A_305 = arith.constant 15 : i32
          %parallel_loop3A_306 = arith.index_cast %parallel_loop3A_304 : i32 to index
          %parallel_loop3A_307 = arith.index_cast %parallel_loop3A_305 : i32 to index
          %parallel_loop3A_308 = arith.index_cast %parallel_loop3A_118 : i32 to index
          %parallel_loop3A_309 = tpu.vector_load %arg7[%parallel_loop3A_306, %parallel_loop3A_307, %parallel_loop3A_308] {strides = array<i32>} : memref<2x16x1280xf32, #tpu.memory_space<vmem>>, vector<16xf32>,
          tpu.vector_store %arg7[%parallel_loop3A_306, %parallel_loop3A_307, %parallel_loop3A_308], %parallel_loop3A_303 {strides = array<i32>} : memref<2x16x1280xf32, #tpu.memory_space<vmem>>, vector<16xf32>,
        } {sc.loop_unroll_factor = 4 : i64, sc.parallel_access}
        %dma_start3A = arith.constant 0 : i32
        %dma_start3A_94 = arith.constant 0 : i32
        %dma_start3A_95 = arith.constant 0 : i32
        %dma_start3A_96 = tpu.memref_slice %arg7[%dma_start3A, %dma_start3A_94, %dma_start3A_95] : memref<2x16x1280xf32, #tpu.memory_space<vmem>> -> memref<1x16x1280xf32, #tpu.memory_space<vmem>>
        %dma_start3A_97 = tpu.memref_squeeze %dma_start3A_96 : memref<1x16x1280xf32, #tpu.memory_space<vmem>> -> memref<16x1280xf32, #tpu.memory_space<vmem>>
        %dma_start3A_98 = arith.constant 0 : i32
        %dma_start3A_99 = tpu.memref_slice %arg4[%dma_start3A_98, %mul3A_72] : memref<16x3200000xf32, #tpu.memory_space<hbm>> -> memref<16x1280xf32, #tpu.memory_space<hbm>>
        %dma_start3A_100 = arith.constant 0 : i32
        %dma_start3A_101 = tpu.memref_slice %arg4[%dma_start3A_100, %mul3A_72] : memref<16x3200000xf32, #tpu.memory_space<hbm>> -> memref<16x1280xf32, #tpu.memory_space<hbm>>
        %dma_start3A_102 = arith.constant 0 : i32
        %dma_start3A_103 = arith.constant 0 : i32
        %dma_start3A_104 = tpu.memref_slice %arg7[%dma_start3A, %dma_start3A_102, %dma_start3A_103] : memref<2x16x1280xf32, #tpu.memory_space<vmem>> -> memref<1x16x1280xf32, #tpu.memory_space<vmem>>
        %dma_start3A_105 = tpu.memref_squeeze %dma_start3A_104 : memref<1x16x1280xf32, #tpu.memory_space<vmem>> -> memref<16x1280xf32, #tpu.memory_space<vmem>>
        tpu.enqueue_dma source(%dma_start3A_105 : memref<16x1280xf32, #tpu.memory_space<vmem>>) target(%dma_start3A_101 : memref<16x1280xf32, #tpu.memory_space<hbm>>) target_semaphore(%arg10 : memref<!tpu.dma_semaphore, #tpu.memory_space<semaphore_mem>>)
        %add3A_106 = arith.constant 2 : i32
        %add3A_107 = arith.addi %add3A_50, %add3A_106 : i32
        %mul3A_108 = arith.constant 32 : i32
        %mul3A_109 = arith.muli %add3A_107, %mul3A_108 : i32
        %add3A_110 = arith.addi %add3A, %mul3A_109 : i32
        %lt3A_111 = arith.constant 2500 : i32
        %lt3A_112 = arith.cmpi slt, %add3A_110, %lt3A_111 : i32
        %convert_element_type3A_113 = arith.extui %lt3A_112 : i1 to i32
        %cond3A_114 = arith.constant 0 : i32
        %cond3A_115 = arith.cmpi ne, %convert_element_type3A_113, %cond3A_114 : i32
        scf.if %cond3A_115 {
          %mul3A_116 = arith.constant 1280 : i32
          %mul3A_117 = arith.muli %add3A_110, %mul3A_116 : i32
          %dma_start3A_118 = arith.constant 0 : i32
          %dma_start3A_119 = arith.constant 0 : i32
          %dma_start3A_120 = arith.constant 0 : i32
          %dma_start3A_121 = tpu.memref_slice %arg6[%dma_start3A_118, %dma_start3A_119, %dma_start3A_120] : memref<2x2x1280xi32, #tpu.memory_space<vmem>> -> memref<1x2x1280xi32, #tpu.memory_space<vmem>>
          %dma_start3A_122 = tpu.memref_squeeze %dma_start3A_121 : memref<1x2x1280xi32, #tpu.memory_space<vmem>> -> memref<2x1280xi32, #tpu.memory_space<vmem>>
          %dma_start3A_123 = arith.constant 0 : i32
          %dma_start3A_124 = tpu.memref_slice %arg2[%dma_start3A_123, %mul3A_117] : memref<2x3200000xi32, #tpu.memory_space<hbm>> -> memref<2x1280xi32, #tpu.memory_space<hbm>>
          %dma_start3A_125 = arith.constant 0 : i32
          %dma_start3A_126 = arith.constant 0 : i32
          %dma_start3A_127 = tpu.memref_slice %arg6[%dma_start3A_118, %dma_start3A_125, %dma_start3A_126] : memref<2x2x1280xi32, #tpu.memory_space<vmem>> -> memref<1x2x1280xi32, #tpu.memory_space<vmem>>
          %dma_start3A_128 = tpu.memref_squeeze %dma_start3A_127 : memref<1x2x1280xi32, #tpu.memory_space<vmem>> -> memref<2x1280xi32, #tpu.memory_space<vmem>>
          %dma_start3A_129 = arith.constant 0 : i32
          %dma_start3A_130 = tpu.memref_slice %arg2[%dma_start3A_129, %mul3A_117] : memref<2x3200000xi32, #tpu.memory_space<hbm>> -> memref<2x1280xi32, #tpu.memory_space<hbm>>
          tpu.enqueue_dma source(%dma_start3A_130 : memref<2x1280xi32, #tpu.memory_space<hbm>>) target(%dma_start3A_128 : memref<2x1280xi32, #tpu.memory_space<vmem>>) target_semaphore(%arg8 : memref<!tpu.dma_semaphore, #tpu.memory_space<semaphore_mem>>)
        } else {
        }
      } else {
      }
      %mul3A_59 = arith.constant 2 : i32
      %mul3A_60 = arith.muli %mul3A_59, %scan3A_46 : i32
      %add3A_61 = arith.constant 1 : i32
      %add3A_62 = arith.addi %mul3A_60, %add3A_61 : i32
      %mul3A_63 = arith.constant 32 : i32
      %mul3A_64 = arith.muli %add3A_62, %mul3A_63 : i32
      %add3A_65 = arith.addi %add3A, %mul3A_64 : i32
      %lt3A_66 = arith.constant 2500 : i32
      %lt3A_67 = arith.cmpi slt, %add3A_65, %lt3A_66 : i32
      %convert_element_type3A_68 = arith.extui %lt3A_67 : i1 to i32
      %cond3A_69 = arith.constant 0 : i32
      %cond3A_70 = arith.cmpi ne, %convert_element_type3A_68, %cond3A_69 : i32
      scf.if %cond3A_70 {
        %mul3A_71 = arith.constant 1280 : i32
        %mul3A_72 = arith.muli %add3A_65, %mul3A_71 : i32
        %dma_wait3A_73 = arith.constant 1 : i32
        %dma_wait3A_74 = arith.constant 0 : i32
        %dma_wait3A_75 = arith.constant 0 : i32
        %dma_wait3A_76 = tpu.memref_slice %arg6[%dma_wait3A_73, %dma_wait3A_74, %dma_wait3A_75] : memref<2x2x1280xi32, #tpu.memory_space<vmem>> -> memref<1x2x1280xi32, #tpu.memory_space<vmem>>
        %dma_wait3A_77 = tpu.memref_squeeze %dma_wait3A_76 : memref<1x2x1280xi32, #tpu.memory_space<vmem>> -> memref<2x1280xi32, #tpu.memory_space<vmem>>
        %dma_wait3A_78 = arith.constant 0 : i32
        %dma_wait3A_79 = arith.constant 0 : i32
        %dma_wait3A_80 = tpu.memref_slice %arg2[%dma_wait3A_78, %dma_wait3A_79] : memref<2x3200000xi32, #tpu.memory_space<hbm>> -> memref<2x1280xi32, #tpu.memory_space<hbm>>
        %dma_wait3A_81 = arith.constant 0 : i32
        %dma_wait3A_82 = arith.constant 0 : i32
        %dma_wait3A_83 = tpu.memref_slice %arg6[%dma_wait3A_73, %dma_wait3A_81, %dma_wait3A_82] : memref<2x2x1280xi32, #tpu.memory_space<vmem>> -> memref<1x2x1280xi32, #tpu.memory_space<vmem>>
        %dma_wait3A_84 = tpu.memref_squeeze %dma_wait3A_83 : memref<1x2x1280xi32, #tpu.memory_space<vmem>> -> memref<2x1280xi32, #tpu.memory_space<vmem>>
        %dma_wait3A_85 = arith.constant 0 : i32
        %dma_wait3A_86 = arith.constant 0 : i32
        %dma_wait3A_87 = tpu.memref_slice %arg2[%dma_wait3A_85, %dma_wait3A_86] : memref<2x3200000xi32, #tpu.memory_space<hbm>> -> memref<2x1280xi32, #tpu.memory_space<hbm>>
        tpu.wait_dma2 semaphore(%arg9 : memref<!tpu.dma_semaphore, #tpu.memory_space<semaphore_mem>>) src(%dma_wait3A_87 : memref<2x1280xi32, #tpu.memory_space<hbm>>) dst(%dma_wait3A_84 : memref<2x1280xi32, #tpu.memory_space<vmem>>)
        %gt3A = arith.constant 0 : i32
        %gt3A_88 = arith.cmpi sgt, %scan3A_46, %gt3A : i32
        %convert_element_type3A_89 = arith.extui %gt3A_88 : i1 to i32
        %cond3A_90 = arith.constant 0 : i32
        %cond3A_91 = arith.cmpi ne, %convert_element_type3A_89, %cond3A_90 : i32
        scf.if %cond3A_91 {
          %dma_wait3A_116 = arith.constant 1 : i32
          %dma_wait3A_117 = arith.constant 0 : i32
          %dma_wait3A_118 = arith.constant 0 : i32
          %dma_wait3A_119 = tpu.memref_slice %arg7[%dma_wait3A_116, %dma_wait3A_117, %dma_wait3A_118] : memref<2x16x1280xf32, #tpu.memory_space<vmem>> -> memref<1x16x1280xf32, #tpu.memory_space<vmem>>
          %dma_wait3A_120 = tpu.memref_squeeze %dma_wait3A_119 : memref<1x16x1280xf32, #tpu.memory_space<vmem>> -> memref<16x1280xf32, #tpu.memory_space<vmem>>
          %dma_wait3A_121 = arith.constant 0 : i32
          %dma_wait3A_122 = arith.constant 0 : i32
          %dma_wait3A_123 = tpu.memref_slice %arg4[%dma_wait3A_121, %dma_wait3A_122] : memref<16x3200000xf32, #tpu.memory_space<hbm>> -> memref<16x1280xf32, #tpu.memory_space<hbm>>
          %dma_wait3A_124 = arith.constant 0 : i32
          %dma_wait3A_125 = arith.constant 0 : i32
          %dma_wait3A_126 = tpu.memref_slice %arg4[%dma_wait3A_124, %dma_wait3A_125] : memref<16x3200000xf32, #tpu.memory_space<hbm>> -> memref<16x1280xf32, #tpu.memory_space<hbm>>
          %dma_wait3A_127 = arith.constant 0 : i32
          %dma_wait3A_128 = arith.constant 0 : i32
          %dma_wait3A_129 = tpu.memref_slice %arg7[%dma_wait3A_116, %dma_wait3A_127, %dma_wait3A_128] : memref<2x16x1280xf32, #tpu.memory_space<vmem>> -> memref<1x16x1280xf32, #tpu.memory_space<vmem>>
          %dma_wait3A_130 = tpu.memref_squeeze %dma_wait3A_129 : memref<1x16x1280xf32, #tpu.memory_space<vmem>> -> memref<16x1280xf32, #tpu.memory_space<vmem>>
          tpu.wait_dma2 semaphore(%arg11 : memref<!tpu.dma_semaphore, #tpu.memory_space<semaphore_mem>>) src(%dma_wait3A_130 : memref<16x1280xf32, #tpu.memory_space<vmem>>) dst(%dma_wait3A_126 : memref<16x1280xf32, #tpu.memory_space<hbm>>)
        } else {
        }
        %parallel_loop3A = arith.constant 0 : i32
        %parallel_loop3A_92 = arith.constant 80 : i32
        %parallel_loop3A_93 = arith.constant 1 : i32
        scf.for %parallel_loop3A_116 = %parallel_loop3A to %parallel_loop3A_92 step %parallel_loop3A_93  : i32 {
          %parallel_loop3A_117 = arith.constant 16 : i32
          %parallel_loop3A_118 = arith.muli %parallel_loop3A_116, %parallel_loop3A_117 : i32
          %parallel_loop3A_119 = arith.constant 1 : i32
          %parallel_loop3A_120 = arith.constant 0 : i32
          %parallel_loop3A_121 = arith.index_cast %parallel_loop3A_119 : i32 to index
          %parallel_loop3A_122 = arith.index_cast %parallel_loop3A_120 : i32 to index
          %parallel_loop3A_123 = arith.index_cast %parallel_loop3A_118 : i32 to index
          %parallel_loop3A_124 = tpu.vector_load %arg6[%parallel_loop3A_121, %parallel_loop3A_122, %parallel_loop3A_123] {strides = array<i32>} : memref<2x2x1280xi32, #tpu.memory_space<vmem>>, vector<16xi32>,
          %parallel_loop3A_125 = arith.constant 1 : i32
          %parallel_loop3A_126 = arith.constant 1 : i32
          %parallel_loop3A_127 = arith.index_cast %parallel_loop3A_125 : i32 to index
          %parallel_loop3A_128 = arith.index_cast %parallel_loop3A_126 : i32 to index
          %parallel_loop3A_129 = arith.index_cast %parallel_loop3A_118 : i32 to index
          %parallel_loop3A_130 = tpu.vector_load %arg6[%parallel_loop3A_127, %parallel_loop3A_128, %parallel_loop3A_129] {strides = array<i32>} : memref<2x2x1280xi32, #tpu.memory_space<vmem>>, vector<16xi32>,
          %parallel_loop3A_131 = arith.subi %parallel_loop3A_124, %parallel_loop3A_130 : vector<16xi32>
          %parallel_loop3A_132 = math.absi %parallel_loop3A_131 : vector<16xi32>
          %parallel_loop3A_133 = arith.constant 1 : i32
          %parallel_loop3A_134 = vector.broadcast %parallel_loop3A_133 : i32 to vector<16xi32>
          %parallel_loop3A_135 = arith.subi %parallel_loop3A_132, %parallel_loop3A_134 : vector<16xi32>
          %parallel_loop3A_136 = arith.constant 0 : i32
          %parallel_loop3A_137 = vector.broadcast %parallel_loop3A_136 : i32 to vector<16xi32>
          %parallel_loop3A_138 = arith.maxsi %parallel_loop3A_135, %parallel_loop3A_137 : vector<16xi32>
          %parallel_loop3A_139 = arith.sitofp %parallel_loop3A_138 : vector<16xi32> to vector<16xf32>
          %parallel_loop3A_140 = tpu.bitcast %parallel_loop3A_139 : vector<16xf32> -> vector<16xi32>
          %parallel_loop3A_141 = arith.constant 23 : i32
          %parallel_loop3A_142 = vector.broadcast %parallel_loop3A_141 : i32 to vector<16xi32>
          %parallel_loop3A_143 = arith.shrsi %parallel_loop3A_140, %parallel_loop3A_142 : vector<16xi32>
          %parallel_loop3A_144 = arith.constant 126 : i32
          %parallel_loop3A_145 = vector.broadcast %parallel_loop3A_144 : i32 to vector<16xi32>
          %parallel_loop3A_146 = arith.subi %parallel_loop3A_143, %parallel_loop3A_145 : vector<16xi32>
          %parallel_loop3A_147 = arith.constant 0 : i32
          %parallel_loop3A_148 = vector.broadcast %parallel_loop3A_147 : i32 to vector<16xi32>
          %parallel_loop3A_149 = arith.maxsi %parallel_loop3A_146, %parallel_loop3A_148 : vector<16xi32>
          %parallel_loop3A_150 = arith.constant 0 : i32
          %parallel_loop3A_151 = vector.broadcast %parallel_loop3A_150 : i32 to vector<16xi32>
          %parallel_loop3A_152 = arith.addi %parallel_loop3A_149, %parallel_loop3A_151 : vector<16xi32>
          %parallel_loop3A_153 = tpu.vector_load_idx %arg5[%parallel_loop3A_152] : memref<2048xf32, #tpu.memory_space<vmem>>[vector<16xi32>], vector<16xf32>,
          %parallel_loop3A_154 = arith.constant 1 : i32
          %parallel_loop3A_155 = arith.constant 0 : i32
          %parallel_loop3A_156 = arith.index_cast %parallel_loop3A_154 : i32 to index
          %parallel_loop3A_157 = arith.index_cast %parallel_loop3A_155 : i32 to index
          %parallel_loop3A_158 = arith.index_cast %parallel_loop3A_118 : i32 to index
          %parallel_loop3A_159 = tpu.vector_load %arg7[%parallel_loop3A_156, %parallel_loop3A_157, %parallel_loop3A_158] {strides = array<i32>} : memref<2x16x1280xf32, #tpu.memory_space<vmem>>, vector<16xf32>,
          tpu.vector_store %arg7[%parallel_loop3A_156, %parallel_loop3A_157, %parallel_loop3A_158], %parallel_loop3A_153 {strides = array<i32>} : memref<2x16x1280xf32, #tpu.memory_space<vmem>>, vector<16xf32>,
          %parallel_loop3A_160 = arith.constant 128 : i32
          %parallel_loop3A_161 = vector.broadcast %parallel_loop3A_160 : i32 to vector<16xi32>
          %parallel_loop3A_162 = arith.addi %parallel_loop3A_149, %parallel_loop3A_161 : vector<16xi32>
          %parallel_loop3A_163 = tpu.vector_load_idx %arg5[%parallel_loop3A_162] : memref<2048xf32, #tpu.memory_space<vmem>>[vector<16xi32>], vector<16xf32>,
          %parallel_loop3A_164 = arith.constant 1 : i32
          %parallel_loop3A_165 = arith.constant 1 : i32
          %parallel_loop3A_166 = arith.index_cast %parallel_loop3A_164 : i32 to index
          %parallel_loop3A_167 = arith.index_cast %parallel_loop3A_165 : i32 to index
          %parallel_loop3A_168 = arith.index_cast %parallel_loop3A_118 : i32 to index
          %parallel_loop3A_169 = tpu.vector_load %arg7[%parallel_loop3A_166, %parallel_loop3A_167, %parallel_loop3A_168] {strides = array<i32>} : memref<2x16x1280xf32, #tpu.memory_space<vmem>>, vector<16xf32>,
          tpu.vector_store %arg7[%parallel_loop3A_166, %parallel_loop3A_167, %parallel_loop3A_168], %parallel_loop3A_163 {strides = array<i32>} : memref<2x16x1280xf32, #tpu.memory_space<vmem>>, vector<16xf32>,
          %parallel_loop3A_170 = arith.constant 256 : i32
          %parallel_loop3A_171 = vector.broadcast %parallel_loop3A_170 : i32 to vector<16xi32>
          %parallel_loop3A_172 = arith.addi %parallel_loop3A_149, %parallel_loop3A_171 : vector<16xi32>
          %parallel_loop3A_173 = tpu.vector_load_idx %arg5[%parallel_loop3A_172] : memref<2048xf32, #tpu.memory_space<vmem>>[vector<16xi32>], vector<16xf32>,
          %parallel_loop3A_174 = arith.constant 1 : i32
          %parallel_loop3A_175 = arith.constant 2 : i32
          %parallel_loop3A_176 = arith.index_cast %parallel_loop3A_174 : i32 to index
          %parallel_loop3A_177 = arith.index_cast %parallel_loop3A_175 : i32 to index
          %parallel_loop3A_178 = arith.index_cast %parallel_loop3A_118 : i32 to index
          %parallel_loop3A_179 = tpu.vector_load %arg7[%parallel_loop3A_176, %parallel_loop3A_177, %parallel_loop3A_178] {strides = array<i32>} : memref<2x16x1280xf32, #tpu.memory_space<vmem>>, vector<16xf32>,
          tpu.vector_store %arg7[%parallel_loop3A_176, %parallel_loop3A_177, %parallel_loop3A_178], %parallel_loop3A_173 {strides = array<i32>} : memref<2x16x1280xf32, #tpu.memory_space<vmem>>, vector<16xf32>,
          %parallel_loop3A_180 = arith.constant 384 : i32
          %parallel_loop3A_181 = vector.broadcast %parallel_loop3A_180 : i32 to vector<16xi32>
          %parallel_loop3A_182 = arith.addi %parallel_loop3A_149, %parallel_loop3A_181 : vector<16xi32>
          %parallel_loop3A_183 = tpu.vector_load_idx %arg5[%parallel_loop3A_182] : memref<2048xf32, #tpu.memory_space<vmem>>[vector<16xi32>], vector<16xf32>,
          %parallel_loop3A_184 = arith.constant 1 : i32
          %parallel_loop3A_185 = arith.constant 3 : i32
          %parallel_loop3A_186 = arith.index_cast %parallel_loop3A_184 : i32 to index
          %parallel_loop3A_187 = arith.index_cast %parallel_loop3A_185 : i32 to index
          %parallel_loop3A_188 = arith.index_cast %parallel_loop3A_118 : i32 to index
          %parallel_loop3A_189 = tpu.vector_load %arg7[%parallel_loop3A_186, %parallel_loop3A_187, %parallel_loop3A_188] {strides = array<i32>} : memref<2x16x1280xf32, #tpu.memory_space<vmem>>, vector<16xf32>,
          tpu.vector_store %arg7[%parallel_loop3A_186, %parallel_loop3A_187, %parallel_loop3A_188], %parallel_loop3A_183 {strides = array<i32>} : memref<2x16x1280xf32, #tpu.memory_space<vmem>>, vector<16xf32>,
          %parallel_loop3A_190 = arith.constant 512 : i32
          %parallel_loop3A_191 = vector.broadcast %parallel_loop3A_190 : i32 to vector<16xi32>
          %parallel_loop3A_192 = arith.addi %parallel_loop3A_149, %parallel_loop3A_191 : vector<16xi32>
          %parallel_loop3A_193 = tpu.vector_load_idx %arg5[%parallel_loop3A_192] : memref<2048xf32, #tpu.memory_space<vmem>>[vector<16xi32>], vector<16xf32>,
          %parallel_loop3A_194 = arith.constant 1 : i32
          %parallel_loop3A_195 = arith.constant 4 : i32
          %parallel_loop3A_196 = arith.index_cast %parallel_loop3A_194 : i32 to index
          %parallel_loop3A_197 = arith.index_cast %parallel_loop3A_195 : i32 to index
          %parallel_loop3A_198 = arith.index_cast %parallel_loop3A_118 : i32 to index
          %parallel_loop3A_199 = tpu.vector_load %arg7[%parallel_loop3A_196, %parallel_loop3A_197, %parallel_loop3A_198] {strides = array<i32>} : memref<2x16x1280xf32, #tpu.memory_space<vmem>>, vector<16xf32>,
          tpu.vector_store %arg7[%parallel_loop3A_196, %parallel_loop3A_197, %parallel_loop3A_198], %parallel_loop3A_193 {strides = array<i32>} : memref<2x16x1280xf32, #tpu.memory_space<vmem>>, vector<16xf32>,
          %parallel_loop3A_200 = arith.constant 640 : i32
          %parallel_loop3A_201 = vector.broadcast %parallel_loop3A_200 : i32 to vector<16xi32>
          %parallel_loop3A_202 = arith.addi %parallel_loop3A_149, %parallel_loop3A_201 : vector<16xi32>
          %parallel_loop3A_203 = tpu.vector_load_idx %arg5[%parallel_loop3A_202] : memref<2048xf32, #tpu.memory_space<vmem>>[vector<16xi32>], vector<16xf32>,
          %parallel_loop3A_204 = arith.constant 1 : i32
          %parallel_loop3A_205 = arith.constant 5 : i32
          %parallel_loop3A_206 = arith.index_cast %parallel_loop3A_204 : i32 to index
          %parallel_loop3A_207 = arith.index_cast %parallel_loop3A_205 : i32 to index
          %parallel_loop3A_208 = arith.index_cast %parallel_loop3A_118 : i32 to index
          %parallel_loop3A_209 = tpu.vector_load %arg7[%parallel_loop3A_206, %parallel_loop3A_207, %parallel_loop3A_208] {strides = array<i32>} : memref<2x16x1280xf32, #tpu.memory_space<vmem>>, vector<16xf32>,
          tpu.vector_store %arg7[%parallel_loop3A_206, %parallel_loop3A_207, %parallel_loop3A_208], %parallel_loop3A_203 {strides = array<i32>} : memref<2x16x1280xf32, #tpu.memory_space<vmem>>, vector<16xf32>,
          %parallel_loop3A_210 = arith.constant 768 : i32
          %parallel_loop3A_211 = vector.broadcast %parallel_loop3A_210 : i32 to vector<16xi32>
          %parallel_loop3A_212 = arith.addi %parallel_loop3A_149, %parallel_loop3A_211 : vector<16xi32>
          %parallel_loop3A_213 = tpu.vector_load_idx %arg5[%parallel_loop3A_212] : memref<2048xf32, #tpu.memory_space<vmem>>[vector<16xi32>], vector<16xf32>,
          %parallel_loop3A_214 = arith.constant 1 : i32
          %parallel_loop3A_215 = arith.constant 6 : i32
          %parallel_loop3A_216 = arith.index_cast %parallel_loop3A_214 : i32 to index
          %parallel_loop3A_217 = arith.index_cast %parallel_loop3A_215 : i32 to index
          %parallel_loop3A_218 = arith.index_cast %parallel_loop3A_118 : i32 to index
          %parallel_loop3A_219 = tpu.vector_load %arg7[%parallel_loop3A_216, %parallel_loop3A_217, %parallel_loop3A_218] {strides = array<i32>} : memref<2x16x1280xf32, #tpu.memory_space<vmem>>, vector<16xf32>,
          tpu.vector_store %arg7[%parallel_loop3A_216, %parallel_loop3A_217, %parallel_loop3A_218], %parallel_loop3A_213 {strides = array<i32>} : memref<2x16x1280xf32, #tpu.memory_space<vmem>>, vector<16xf32>,
          %parallel_loop3A_220 = arith.constant 896 : i32
          %parallel_loop3A_221 = vector.broadcast %parallel_loop3A_220 : i32 to vector<16xi32>
          %parallel_loop3A_222 = arith.addi %parallel_loop3A_149, %parallel_loop3A_221 : vector<16xi32>
          %parallel_loop3A_223 = tpu.vector_load_idx %arg5[%parallel_loop3A_222] : memref<2048xf32, #tpu.memory_space<vmem>>[vector<16xi32>], vector<16xf32>,
          %parallel_loop3A_224 = arith.constant 1 : i32
          %parallel_loop3A_225 = arith.constant 7 : i32
          %parallel_loop3A_226 = arith.index_cast %parallel_loop3A_224 : i32 to index
          %parallel_loop3A_227 = arith.index_cast %parallel_loop3A_225 : i32 to index
          %parallel_loop3A_228 = arith.index_cast %parallel_loop3A_118 : i32 to index
          %parallel_loop3A_229 = tpu.vector_load %arg7[%parallel_loop3A_226, %parallel_loop3A_227, %parallel_loop3A_228] {strides = array<i32>} : memref<2x16x1280xf32, #tpu.memory_space<vmem>>, vector<16xf32>,
          tpu.vector_store %arg7[%parallel_loop3A_226, %parallel_loop3A_227, %parallel_loop3A_228], %parallel_loop3A_223 {strides = array<i32>} : memref<2x16x1280xf32, #tpu.memory_space<vmem>>, vector<16xf32>,
          %parallel_loop3A_230 = arith.constant 1024 : i32
          %parallel_loop3A_231 = vector.broadcast %parallel_loop3A_230 : i32 to vector<16xi32>
          %parallel_loop3A_232 = arith.addi %parallel_loop3A_149, %parallel_loop3A_231 : vector<16xi32>
          %parallel_loop3A_233 = tpu.vector_load_idx %arg5[%parallel_loop3A_232] : memref<2048xf32, #tpu.memory_space<vmem>>[vector<16xi32>], vector<16xf32>,
          %parallel_loop3A_234 = arith.constant 1 : i32
          %parallel_loop3A_235 = arith.constant 8 : i32
          %parallel_loop3A_236 = arith.index_cast %parallel_loop3A_234 : i32 to index
          %parallel_loop3A_237 = arith.index_cast %parallel_loop3A_235 : i32 to index
          %parallel_loop3A_238 = arith.index_cast %parallel_loop3A_118 : i32 to index
          %parallel_loop3A_239 = tpu.vector_load %arg7[%parallel_loop3A_236, %parallel_loop3A_237, %parallel_loop3A_238] {strides = array<i32>} : memref<2x16x1280xf32, #tpu.memory_space<vmem>>, vector<16xf32>,
          tpu.vector_store %arg7[%parallel_loop3A_236, %parallel_loop3A_237, %parallel_loop3A_238], %parallel_loop3A_233 {strides = array<i32>} : memref<2x16x1280xf32, #tpu.memory_space<vmem>>, vector<16xf32>,
          %parallel_loop3A_240 = arith.constant 1152 : i32
          %parallel_loop3A_241 = vector.broadcast %parallel_loop3A_240 : i32 to vector<16xi32>
          %parallel_loop3A_242 = arith.addi %parallel_loop3A_149, %parallel_loop3A_241 : vector<16xi32>
          %parallel_loop3A_243 = tpu.vector_load_idx %arg5[%parallel_loop3A_242] : memref<2048xf32, #tpu.memory_space<vmem>>[vector<16xi32>], vector<16xf32>,
          %parallel_loop3A_244 = arith.constant 1 : i32
          %parallel_loop3A_245 = arith.constant 9 : i32
          %parallel_loop3A_246 = arith.index_cast %parallel_loop3A_244 : i32 to index
          %parallel_loop3A_247 = arith.index_cast %parallel_loop3A_245 : i32 to index
          %parallel_loop3A_248 = arith.index_cast %parallel_loop3A_118 : i32 to index
          %parallel_loop3A_249 = tpu.vector_load %arg7[%parallel_loop3A_246, %parallel_loop3A_247, %parallel_loop3A_248] {strides = array<i32>} : memref<2x16x1280xf32, #tpu.memory_space<vmem>>, vector<16xf32>,
          tpu.vector_store %arg7[%parallel_loop3A_246, %parallel_loop3A_247, %parallel_loop3A_248], %parallel_loop3A_243 {strides = array<i32>} : memref<2x16x1280xf32, #tpu.memory_space<vmem>>, vector<16xf32>,
          %parallel_loop3A_250 = arith.constant 1280 : i32
          %parallel_loop3A_251 = vector.broadcast %parallel_loop3A_250 : i32 to vector<16xi32>
          %parallel_loop3A_252 = arith.addi %parallel_loop3A_149, %parallel_loop3A_251 : vector<16xi32>
          %parallel_loop3A_253 = tpu.vector_load_idx %arg5[%parallel_loop3A_252] : memref<2048xf32, #tpu.memory_space<vmem>>[vector<16xi32>], vector<16xf32>,
          %parallel_loop3A_254 = arith.constant 1 : i32
          %parallel_loop3A_255 = arith.constant 10 : i32
          %parallel_loop3A_256 = arith.index_cast %parallel_loop3A_254 : i32 to index
          %parallel_loop3A_257 = arith.index_cast %parallel_loop3A_255 : i32 to index
          %parallel_loop3A_258 = arith.index_cast %parallel_loop3A_118 : i32 to index
          %parallel_loop3A_259 = tpu.vector_load %arg7[%parallel_loop3A_256, %parallel_loop3A_257, %parallel_loop3A_258] {strides = array<i32>} : memref<2x16x1280xf32, #tpu.memory_space<vmem>>, vector<16xf32>,
          tpu.vector_store %arg7[%parallel_loop3A_256, %parallel_loop3A_257, %parallel_loop3A_258], %parallel_loop3A_253 {strides = array<i32>} : memref<2x16x1280xf32, #tpu.memory_space<vmem>>, vector<16xf32>,
          %parallel_loop3A_260 = arith.constant 1408 : i32
          %parallel_loop3A_261 = vector.broadcast %parallel_loop3A_260 : i32 to vector<16xi32>
          %parallel_loop3A_262 = arith.addi %parallel_loop3A_149, %parallel_loop3A_261 : vector<16xi32>
          %parallel_loop3A_263 = tpu.vector_load_idx %arg5[%parallel_loop3A_262] : memref<2048xf32, #tpu.memory_space<vmem>>[vector<16xi32>], vector<16xf32>,
          %parallel_loop3A_264 = arith.constant 1 : i32
          %parallel_loop3A_265 = arith.constant 11 : i32
          %parallel_loop3A_266 = arith.index_cast %parallel_loop3A_264 : i32 to index
          %parallel_loop3A_267 = arith.index_cast %parallel_loop3A_265 : i32 to index
          %parallel_loop3A_268 = arith.index_cast %parallel_loop3A_118 : i32 to index
          %parallel_loop3A_269 = tpu.vector_load %arg7[%parallel_loop3A_266, %parallel_loop3A_267, %parallel_loop3A_268] {strides = array<i32>} : memref<2x16x1280xf32, #tpu.memory_space<vmem>>, vector<16xf32>,
          tpu.vector_store %arg7[%parallel_loop3A_266, %parallel_loop3A_267, %parallel_loop3A_268], %parallel_loop3A_263 {strides = array<i32>} : memref<2x16x1280xf32, #tpu.memory_space<vmem>>, vector<16xf32>,
          %parallel_loop3A_270 = arith.constant 1536 : i32
          %parallel_loop3A_271 = vector.broadcast %parallel_loop3A_270 : i32 to vector<16xi32>
          %parallel_loop3A_272 = arith.addi %parallel_loop3A_149, %parallel_loop3A_271 : vector<16xi32>
          %parallel_loop3A_273 = tpu.vector_load_idx %arg5[%parallel_loop3A_272] : memref<2048xf32, #tpu.memory_space<vmem>>[vector<16xi32>], vector<16xf32>,
          %parallel_loop3A_274 = arith.constant 1 : i32
          %parallel_loop3A_275 = arith.constant 12 : i32
          %parallel_loop3A_276 = arith.index_cast %parallel_loop3A_274 : i32 to index
          %parallel_loop3A_277 = arith.index_cast %parallel_loop3A_275 : i32 to index
          %parallel_loop3A_278 = arith.index_cast %parallel_loop3A_118 : i32 to index
          %parallel_loop3A_279 = tpu.vector_load %arg7[%parallel_loop3A_276, %parallel_loop3A_277, %parallel_loop3A_278] {strides = array<i32>} : memref<2x16x1280xf32, #tpu.memory_space<vmem>>, vector<16xf32>,
          tpu.vector_store %arg7[%parallel_loop3A_276, %parallel_loop3A_277, %parallel_loop3A_278], %parallel_loop3A_273 {strides = array<i32>} : memref<2x16x1280xf32, #tpu.memory_space<vmem>>, vector<16xf32>,
          %parallel_loop3A_280 = arith.constant 1664 : i32
          %parallel_loop3A_281 = vector.broadcast %parallel_loop3A_280 : i32 to vector<16xi32>
          %parallel_loop3A_282 = arith.addi %parallel_loop3A_149, %parallel_loop3A_281 : vector<16xi32>
          %parallel_loop3A_283 = tpu.vector_load_idx %arg5[%parallel_loop3A_282] : memref<2048xf32, #tpu.memory_space<vmem>>[vector<16xi32>], vector<16xf32>,
          %parallel_loop3A_284 = arith.constant 1 : i32
          %parallel_loop3A_285 = arith.constant 13 : i32
          %parallel_loop3A_286 = arith.index_cast %parallel_loop3A_284 : i32 to index
          %parallel_loop3A_287 = arith.index_cast %parallel_loop3A_285 : i32 to index
          %parallel_loop3A_288 = arith.index_cast %parallel_loop3A_118 : i32 to index
          %parallel_loop3A_289 = tpu.vector_load %arg7[%parallel_loop3A_286, %parallel_loop3A_287, %parallel_loop3A_288] {strides = array<i32>} : memref<2x16x1280xf32, #tpu.memory_space<vmem>>, vector<16xf32>,
          tpu.vector_store %arg7[%parallel_loop3A_286, %parallel_loop3A_287, %parallel_loop3A_288], %parallel_loop3A_283 {strides = array<i32>} : memref<2x16x1280xf32, #tpu.memory_space<vmem>>, vector<16xf32>,
          %parallel_loop3A_290 = arith.constant 1792 : i32
          %parallel_loop3A_291 = vector.broadcast %parallel_loop3A_290 : i32 to vector<16xi32>
          %parallel_loop3A_292 = arith.addi %parallel_loop3A_149, %parallel_loop3A_291 : vector<16xi32>
          %parallel_loop3A_293 = tpu.vector_load_idx %arg5[%parallel_loop3A_292] : memref<2048xf32, #tpu.memory_space<vmem>>[vector<16xi32>], vector<16xf32>,
          %parallel_loop3A_294 = arith.constant 1 : i32
          %parallel_loop3A_295 = arith.constant 14 : i32
          %parallel_loop3A_296 = arith.index_cast %parallel_loop3A_294 : i32 to index
          %parallel_loop3A_297 = arith.index_cast %parallel_loop3A_295 : i32 to index
          %parallel_loop3A_298 = arith.index_cast %parallel_loop3A_118 : i32 to index
          %parallel_loop3A_299 = tpu.vector_load %arg7[%parallel_loop3A_296, %parallel_loop3A_297, %parallel_loop3A_298] {strides = array<i32>} : memref<2x16x1280xf32, #tpu.memory_space<vmem>>, vector<16xf32>,
          tpu.vector_store %arg7[%parallel_loop3A_296, %parallel_loop3A_297, %parallel_loop3A_298], %parallel_loop3A_293 {strides = array<i32>} : memref<2x16x1280xf32, #tpu.memory_space<vmem>>, vector<16xf32>,
          %parallel_loop3A_300 = arith.constant 1920 : i32
          %parallel_loop3A_301 = vector.broadcast %parallel_loop3A_300 : i32 to vector<16xi32>
          %parallel_loop3A_302 = arith.addi %parallel_loop3A_149, %parallel_loop3A_301 : vector<16xi32>
          %parallel_loop3A_303 = tpu.vector_load_idx %arg5[%parallel_loop3A_302] : memref<2048xf32, #tpu.memory_space<vmem>>[vector<16xi32>], vector<16xf32>,
          %parallel_loop3A_304 = arith.constant 1 : i32
          %parallel_loop3A_305 = arith.constant 15 : i32
          %parallel_loop3A_306 = arith.index_cast %parallel_loop3A_304 : i32 to index
          %parallel_loop3A_307 = arith.index_cast %parallel_loop3A_305 : i32 to index
          %parallel_loop3A_308 = arith.index_cast %parallel_loop3A_118 : i32 to index
          %parallel_loop3A_309 = tpu.vector_load %arg7[%parallel_loop3A_306, %parallel_loop3A_307, %parallel_loop3A_308] {strides = array<i32>} : memref<2x16x1280xf32, #tpu.memory_space<vmem>>, vector<16xf32>,
          tpu.vector_store %arg7[%parallel_loop3A_306, %parallel_loop3A_307, %parallel_loop3A_308], %parallel_loop3A_303 {strides = array<i32>} : memref<2x16x1280xf32, #tpu.memory_space<vmem>>, vector<16xf32>,
        } {sc.loop_unroll_factor = 4 : i64, sc.parallel_access}
        %dma_start3A = arith.constant 1 : i32
        %dma_start3A_94 = arith.constant 0 : i32
        %dma_start3A_95 = arith.constant 0 : i32
        %dma_start3A_96 = tpu.memref_slice %arg7[%dma_start3A, %dma_start3A_94, %dma_start3A_95] : memref<2x16x1280xf32, #tpu.memory_space<vmem>> -> memref<1x16x1280xf32, #tpu.memory_space<vmem>>
        %dma_start3A_97 = tpu.memref_squeeze %dma_start3A_96 : memref<1x16x1280xf32, #tpu.memory_space<vmem>> -> memref<16x1280xf32, #tpu.memory_space<vmem>>
        %dma_start3A_98 = arith.constant 0 : i32
        %dma_start3A_99 = tpu.memref_slice %arg4[%dma_start3A_98, %mul3A_72] : memref<16x3200000xf32, #tpu.memory_space<hbm>> -> memref<16x1280xf32, #tpu.memory_space<hbm>>
        %dma_start3A_100 = arith.constant 0 : i32
        %dma_start3A_101 = tpu.memref_slice %arg4[%dma_start3A_100, %mul3A_72] : memref<16x3200000xf32, #tpu.memory_space<hbm>> -> memref<16x1280xf32, #tpu.memory_space<hbm>>
        %dma_start3A_102 = arith.constant 0 : i32
        %dma_start3A_103 = arith.constant 0 : i32
        %dma_start3A_104 = tpu.memref_slice %arg7[%dma_start3A, %dma_start3A_102, %dma_start3A_103] : memref<2x16x1280xf32, #tpu.memory_space<vmem>> -> memref<1x16x1280xf32, #tpu.memory_space<vmem>>
        %dma_start3A_105 = tpu.memref_squeeze %dma_start3A_104 : memref<1x16x1280xf32, #tpu.memory_space<vmem>> -> memref<16x1280xf32, #tpu.memory_space<vmem>>
        tpu.enqueue_dma source(%dma_start3A_105 : memref<16x1280xf32, #tpu.memory_space<vmem>>) target(%dma_start3A_101 : memref<16x1280xf32, #tpu.memory_space<hbm>>) target_semaphore(%arg11 : memref<!tpu.dma_semaphore, #tpu.memory_space<semaphore_mem>>)
        %add3A_106 = arith.constant 2 : i32
        %add3A_107 = arith.addi %add3A_62, %add3A_106 : i32
        %mul3A_108 = arith.constant 32 : i32
        %mul3A_109 = arith.muli %add3A_107, %mul3A_108 : i32
        %add3A_110 = arith.addi %add3A, %mul3A_109 : i32
        %lt3A_111 = arith.constant 2500 : i32
        %lt3A_112 = arith.cmpi slt, %add3A_110, %lt3A_111 : i32
        %convert_element_type3A_113 = arith.extui %lt3A_112 : i1 to i32
        %cond3A_114 = arith.constant 0 : i32
        %cond3A_115 = arith.cmpi ne, %convert_element_type3A_113, %cond3A_114 : i32
        scf.if %cond3A_115 {
          %mul3A_116 = arith.constant 1280 : i32
          %mul3A_117 = arith.muli %add3A_110, %mul3A_116 : i32
          %dma_start3A_118 = arith.constant 1 : i32
          %dma_start3A_119 = arith.constant 0 : i32
          %dma_start3A_120 = arith.constant 0 : i32
          %dma_start3A_121 = tpu.memref_slice %arg6[%dma_start3A_118, %dma_start3A_119, %dma_start3A_120] : memref<2x2x1280xi32, #tpu.memory_space<vmem>> -> memref<1x2x1280xi32, #tpu.memory_space<vmem>>
          %dma_start3A_122 = tpu.memref_squeeze %dma_start3A_121 : memref<1x2x1280xi32, #tpu.memory_space<vmem>> -> memref<2x1280xi32, #tpu.memory_space<vmem>>
          %dma_start3A_123 = arith.constant 0 : i32
          %dma_start3A_124 = tpu.memref_slice %arg2[%dma_start3A_123, %mul3A_117] : memref<2x3200000xi32, #tpu.memory_space<hbm>> -> memref<2x1280xi32, #tpu.memory_space<hbm>>
          %dma_start3A_125 = arith.constant 0 : i32
          %dma_start3A_126 = arith.constant 0 : i32
          %dma_start3A_127 = tpu.memref_slice %arg6[%dma_start3A_118, %dma_start3A_125, %dma_start3A_126] : memref<2x2x1280xi32, #tpu.memory_space<vmem>> -> memref<1x2x1280xi32, #tpu.memory_space<vmem>>
          %dma_start3A_128 = tpu.memref_squeeze %dma_start3A_127 : memref<1x2x1280xi32, #tpu.memory_space<vmem>> -> memref<2x1280xi32, #tpu.memory_space<vmem>>
          %dma_start3A_129 = arith.constant 0 : i32
          %dma_start3A_130 = tpu.memref_slice %arg2[%dma_start3A_129, %mul3A_117] : memref<2x3200000xi32, #tpu.memory_space<hbm>> -> memref<2x1280xi32, #tpu.memory_space<hbm>>
          tpu.enqueue_dma source(%dma_start3A_130 : memref<2x1280xi32, #tpu.memory_space<hbm>>) target(%dma_start3A_128 : memref<2x1280xi32, #tpu.memory_space<vmem>>) target_semaphore(%arg9 : memref<!tpu.dma_semaphore, #tpu.memory_space<semaphore_mem>>)
        } else {
        }
      } else {
      }
    }
    %scan3A_16 = arith.constant 40 : i32
    %dma_wait3A = arith.constant 0 : i32
    %dma_wait3A_17 = arith.constant 0 : i32
    %dma_wait3A_18 = arith.constant 0 : i32
    %dma_wait3A_19 = tpu.memref_slice %arg7[%dma_wait3A, %dma_wait3A_17, %dma_wait3A_18] : memref<2x16x1280xf32, #tpu.memory_space<vmem>> -> memref<1x16x1280xf32, #tpu.memory_space<vmem>>
    %dma_wait3A_20 = tpu.memref_squeeze %dma_wait3A_19 : memref<1x16x1280xf32, #tpu.memory_space<vmem>> -> memref<16x1280xf32, #tpu.memory_space<vmem>>
    %dma_wait3A_21 = arith.constant 0 : i32
    %dma_wait3A_22 = arith.constant 0 : i32
    %dma_wait3A_23 = tpu.memref_slice %arg4[%dma_wait3A_21, %dma_wait3A_22] : memref<16x3200000xf32, #tpu.memory_space<hbm>> -> memref<16x1280xf32, #tpu.memory_space<hbm>>
    %dma_wait3A_24 = arith.constant 0 : i32
    %dma_wait3A_25 = arith.constant 0 : i32
    %dma_wait3A_26 = tpu.memref_slice %arg4[%dma_wait3A_24, %dma_wait3A_25] : memref<16x3200000xf32, #tpu.memory_space<hbm>> -> memref<16x1280xf32, #tpu.memory_space<hbm>>
    %dma_wait3A_27 = arith.constant 0 : i32
    %dma_wait3A_28 = arith.constant 0 : i32
    %dma_wait3A_29 = tpu.memref_slice %arg7[%dma_wait3A, %dma_wait3A_27, %dma_wait3A_28] : memref<2x16x1280xf32, #tpu.memory_space<vmem>> -> memref<1x16x1280xf32, #tpu.memory_space<vmem>>
    %dma_wait3A_30 = tpu.memref_squeeze %dma_wait3A_29 : memref<1x16x1280xf32, #tpu.memory_space<vmem>> -> memref<16x1280xf32, #tpu.memory_space<vmem>>
    tpu.wait_dma2 semaphore(%arg10 : memref<!tpu.dma_semaphore, #tpu.memory_space<semaphore_mem>>) src(%dma_wait3A_30 : memref<16x1280xf32, #tpu.memory_space<vmem>>) dst(%dma_wait3A_26 : memref<16x1280xf32, #tpu.memory_space<hbm>>)
    %dma_wait3A_31 = arith.constant 1 : i32
    %dma_wait3A_32 = arith.constant 0 : i32
    %dma_wait3A_33 = arith.constant 0 : i32
    %dma_wait3A_34 = tpu.memref_slice %arg7[%dma_wait3A_31, %dma_wait3A_32, %dma_wait3A_33] : memref<2x16x1280xf32, #tpu.memory_space<vmem>> -> memref<1x16x1280xf32, #tpu.memory_space<vmem>>
    %dma_wait3A_35 = tpu.memref_squeeze %dma_wait3A_34 : memref<1x16x1280xf32, #tpu.memory_space<vmem>> -> memref<16x1280xf32, #tpu.memory_space<vmem>>
    %dma_wait3A_36 = arith.constant 0 : i32
    %dma_wait3A_37 = arith.constant 0 : i32
    %dma_wait3A_38 = tpu.memref_slice %arg4[%dma_wait3A_36, %dma_wait3A_37] : memref<16x3200000xf32, #tpu.memory_space<hbm>> -> memref<16x1280xf32, #tpu.memory_space<hbm>>
    %dma_wait3A_39 = arith.constant 0 : i32
    %dma_wait3A_40 = arith.constant 0 : i32
    %dma_wait3A_41 = tpu.memref_slice %arg4[%dma_wait3A_39, %dma_wait3A_40] : memref<16x3200000xf32, #tpu.memory_space<hbm>> -> memref<16x1280xf32, #tpu.memory_space<hbm>>
    %dma_wait3A_42 = arith.constant 0 : i32
    %dma_wait3A_43 = arith.constant 0 : i32
    %dma_wait3A_44 = tpu.memref_slice %arg7[%dma_wait3A_31, %dma_wait3A_42, %dma_wait3A_43] : memref<2x16x1280xf32, #tpu.memory_space<vmem>> -> memref<1x16x1280xf32, #tpu.memory_space<vmem>>
    %dma_wait3A_45 = tpu.memref_squeeze %dma_wait3A_44 : memref<1x16x1280xf32, #tpu.memory_space<vmem>> -> memref<16x1280xf32, #tpu.memory_space<vmem>>
    tpu.wait_dma2 semaphore(%arg11 : memref<!tpu.dma_semaphore, #tpu.memory_space<semaphore_mem>>) src(%dma_wait3A_45 : memref<16x1280xf32, #tpu.memory_space<vmem>>) dst(%dma_wait3A_41 : memref<16x1280xf32, #tpu.memory_space<hbm>>)
    return
  }
}

</mosaic_0001>

<sc_bundles>
// kernel: kernel.3.cloned.1.call-start
scs
__scs_entry_jumppad:
0x0: {  	(pc) =	sbr.rel $0x88, $3  }
0x1: {  	(tag) =	ssettag $0x0;
	lr =	simm.s32 $0x1  }
0x2: {  	[smem:$0x3F9F] =	sst lr;
	_ =	strace $0xD0000000  }
0x3: {  	_ = 	snop  }
0x4: {  	_ = 	snop  }
0x5: {  	_ = 	snop  }
0x6: {  	_ = 	snop  }
0x7: {  	_ = 	snop  }
__scs_overlays_trampoline_lowered:
0x8: {  	[smem:$0x3FAE] =	sst s0  }
0x9: {  	[smem:$0x3FAF] =	sst s1  }
0xa: {  	[smem:$0x3FB0] =	sst s2  }
0xb: {  	[smem:$0x3FB1] =	sst s3  }
0xc: {  	[smem:$0x3FB2] =	sst s4  }
0xd: {  	[smem:$0x3FB3] =	sst s5  }
0xe: {  	[smem:$0x3FB4] =	sst s6  }
0xf: {  	[smem:$0x3FB5] =	sst s7  }
0x10: {  	[smem:$0x3FB6] =	sst s8  }
0x11: {  	[smem:$0x3FB7] =	sst s9;
	s0 =	simm.s32 @!p0 $0x0  }
0x12: {  	s1 =	sld [smem:$0x3F9D];
	s0 =	simm.s32 @p0 $0x1  }
0x13: {  	[smem:$0x3FB8] =	sst s0;
	s0 =	simm.s32 @!p1 $0x0  }
0x14: {  	s2 =	sld [smem:$0x3F9C];
	s0 =	simm.s32 @p1 $0x1  }
0x15: {  	[smem:$0x3FB9] =	sst s0;
	s0 =	simm.s32 @!p2 $0x0  }
0x16: {  	s3 =	sld [smem:$0x3FDB];
	s0 =	simm.s32 @p2 $0x1  }
0x17: {  	s4 =	simm.s32 $0x1BF5;
	[smem:$0x3FBB] =	sst s0  }
0x18: {  	s0 =	sld [smem:$0x3F9E];
	_ =	swait.ge [sflag:s4], $0x0  }
0x19: {  	s7 =	sld [smem:$0x3F9F]  }
0x1a: {  	s8 =	sadd.s32 $0xFFFFE003, lr  }
0x1b: {  	s9 =	sadd.s32 $0xFFFFFEF7, lr;
	s5 =	simm.s32 $0xFFFFFFFF;
	p2 =	slt.u32 s8, $0xFFFFF086  }
0x1c: {  	p1 =	slt.u32 s9, $0xF7A;
	s5 =	simm.s32 @!p2 $0x0  }
0x1d: {  	s5 =	simm.s32 @p1 $0x1;
	p0 =	seq.s32 s7, s2  }
0x1e: {  	s7 =	smul.u32 @!p0 $0xF7A, s2;
	p2 =	seq.s32 @!p0 s5, $0x0  }
0x1f: {  	s9 =	smul.u32 $0xF7A, s1;
	s8 =	simm.s32 @!p0 $0x1BF5;
	p2 =	por !p2, p0  }
0x20: {  	[sflag:s8] =	ssyncset.s32 @!p0 $0xFFFFF086;
	s6 =	sadd.s32 @!p0 s3, s7;
	s7 =	simm.s32 @!p0 $0x108  }
0x21: {  	s3 =	sadd.s32 s3, s9;
	s6 =	sadd.s32 @!p0 $0x88, s6;
	s7 =	simm.s32 @p2 $0x1082  }
0x22: {  	[simem:s7], [sflag:s8] =	dma.local @!p0 [hbm:s6], $0xF7A  }
0x23: {  	s9 =	sor.u32 $0xD0000000, s2;
	s6 =	simm.s32 $0x108;
	_ =	swait.ge @!p0 [sflag:s8], $0x0  }
0x24: {  	s3 =	sadd.s32 $0x88, s3;
	s6 =	simm.s32 @!p1 $0x1082;
	[sflag:s4] =	ssyncset.s32 $0xFFFFF086  }
0x25: {  	[simem:s6], [sflag:s4] =	dma.local [hbm:s3], $0xF7A  }
0x26: {  	[smem:$0x3F9F] =	sst s1;
	(tag) =	ssettag s2;
	_ =	strace s9  }
0x27: {  	s1 =	sld [smem:$0x3FAF]  }
0x28: {  	s2 =	sld [smem:$0x3FB0]  }
0x29: {  	s4 =	sld [smem:$0x3FB2]  }
0x2a: {  	p0 =	seq.s32 s5, $0x0;
	s5 =	sld [smem:$0x3FB3]  }
0x2b: {  	s6 =	sld [smem:$0x3FB4]  }
0x2c: {  	s7 =	sld [smem:$0x3FB5]  }
0x2d: {  	s3 =	simm.s32 $0x108;
	s8 =	sld [smem:$0x3FB6]  }
0x2e: {  	s3 =	simm.s32 @!p0 $0x1082;
	s9 =	sld [smem:$0x3FB7]  }
0x2f: {  	lr =	sadd.s32 s0, s3;
	s0 =	sld [smem:$0x3FAE]  }
0x30: {  	s3 =	sld [smem:$0x3FB1]  }
0x31: {  	[smem:$0x3FBA] =	sst s10  }
0x32: {  	s10 =	sld [smem:$0x3FB8];
	_ =	sdelay $0x3  }
0x33: {  	p0 =	seq.s32 s10, $0x1;
	s10 =	sld [smem:$0x3FBA];
	_ =	sdelay $0x3  }
0x34: {  	[smem:$0x3FBA] =	sst s10  }
0x35: {  	s10 =	sld [smem:$0x3FB9];
	_ =	sdelay $0x3  }
0x36: {  	p1 =	seq.s32 s10, $0x1;
	s10 =	sld [smem:$0x3FBA];
	_ =	sdelay $0x3  }
0x37: {  	[smem:$0x3FBA] =	sst s10  }
0x38: {  	s10 =	sld [smem:$0x3FBB]  }
0x39: {  	_ = 	snop;
	(pc) =	sbr.ind lr, $3  }
0x3a: {  	_ = 	snop  }
0x3b: {  	_ = 	snop  }
0x3c: {  	p2 =	seq.s32 s10, $0x1;
	s10 =	sld [smem:$0x3FBA]  }
0x3d: {  	_ =	shalt  }
0x3e: {  	_ =	shalt  }
0x3f: {  	_ =	shalt  }
0x40: {  	_ =	shalt  }
0x41: {  	_ =	shalt  }
0x42: {  	_ =	shalt  }
0x43: {  	_ =	shalt  }
0x44: {  	_ =	shalt  }
0x45: {  	_ =	shalt  }
0x46: {  	_ =	shalt  }
0x47: {  	_ =	shalt  }
0x48: {  	_ =	shalt  }
0x49: {  	_ =	shalt  }
0x4a: {  	_ =	shalt  }
0x4b: {  	_ =	shalt  }
0x4c: {  	_ =	shalt  }
0x4d: {  	_ =	shalt  }
0x4e: {  	_ =	shalt  }
0x4f: {  	_ =	shalt  }
0x50: {  	_ =	shalt  }
0x51: {  	_ =	shalt  }
0x52: {  	_ =	shalt  }
0x53: {  	_ =	shalt  }
0x54: {  	_ =	shalt  }
0x55: {  	_ =	shalt  }
0x56: {  	_ =	shalt  }
0x57: {  	_ =	shalt  }
0x58: {  	_ =	shalt  }
0x59: {  	_ =	shalt  }
0x5a: {  	_ =	shalt  }
0x5b: {  	_ =	shalt  }
0x5c: {  	_ =	shalt  }
0x5d: {  	_ =	shalt  }
0x5e: {  	_ =	shalt  }
0x5f: {  	_ =	shalt  }
0x60: {  	_ =	shalt  }
0x61: {  	_ =	shalt  }
0x62: {  	_ =	shalt  }
0x63: {  	_ =	shalt  }
0x64: {  	_ =	shalt  }
0x65: {  	_ =	shalt  }
0x66: {  	_ =	shalt  }
0x67: {  	_ =	shalt  }
0x68: {  	_ =	shalt  }
0x69: {  	_ =	shalt  }
0x6a: {  	_ =	shalt  }
0x6b: {  	_ =	shalt  }
0x6c: {  	_ =	shalt  }
0x6d: {  	_ =	shalt  }
0x6e: {  	_ =	shalt  }
0x6f: {  	_ =	shalt  }
0x70: {  	_ =	shalt  }
0x71: {  	_ =	shalt  }
0x72: {  	_ =	shalt  }
0x73: {  	_ =	shalt  }
0x74: {  	_ =	shalt  }
0x75: {  	_ =	shalt  }
0x76: {  	_ =	shalt  }
0x77: {  	_ =	shalt  }
0x78: {  	_ =	shalt  }
0x79: {  	_ =	shalt  }
0x7a: {  	_ =	shalt  }
0x7b: {  	_ =	shalt  }
0x7c: {  	_ =	shalt  }
0x7d: {  	_ =	shalt  }
0x7e: {  	_ =	shalt  }
0x7f: {  	_ =	shalt  }
0x80: {  	_ =	shalt  }
0x81: {  	_ =	shalt  }
0x82: {  	_ =	shalt  }
0x83: {  	_ =	shalt  }
0x84: {  	_ =	shalt  }
0x85: {  	_ =	shalt  }
0x86: {  	_ =	shalt  }
0x87: {  	_ =	shalt  }
.Lfunc_end0:
.L_simem_size_0:
called_computation_lowered:
.L_overlay_start_0:
0x88: {  	s2 =	sld [smem:$0x3FD9]  }
0x89: {  	s3 =	sld [smem:$0x3FFE];
	_ =	sdelay $0x1  }
0x8a: {  	s1 =	srdreg.scid  }
0x8b: {  	s0 =	sand.u32 $0x1, s1  }
0x8c: {  	s17 =	sshll.u32 s0, $0xA;
	s2 =	sadd.s32 s3, s2  }
0x8d: {  	s2 =	sadd.s32 s2, s17  }
0x8e: {  	[smem:$0x3FC6] =	sst s2  }
0x8f: {  	_ = 	snop  }
0x90: {  	s2 =	sld [smem:$0x3FC9]  }
0x91: {  	s18 =	sld [smem:$0x3FD0];
	(tm) =	ssettm $0x1  }
0x92: {  	s4 =	sld [smem:$0x3FFB];
	_ =	sdelay $0x3  }
0x93: {  	_ =	strace s4  }
0x94: {  	s4 =	sld [smem:$0x3FFC];
	_ =	sdelay $0x3  }
0x95: {  	_ =	strace s4  }
0x96: {  	s4 =	sld [smem:$0x3FFD];
	_ =	sdelay $0x3  }
0x97: {  	_ =	strace s4  }
0x98: {  	_ =	strace $0x8FFFFFFF  }
0x99: {  	s19 =	sld [smem:$0x3FDB];
	_ =	sdelay $0x1  }
0x9a: {  	s5 =	simm.s32 $_scs_section_size  }
0x9b: {  	s6 =	simm.s32 $_size__tile_overlayer_lowered;
	s7 =	simm.s32 $_tile_overlayer_lowered  }
0x9c: {  	s22 =	simm.s32 $0x1BFF;
	s21 =	sshll.u32 s7, $0x1;
	s4 =	sadd.s32 s5, s19  }
0x9d: {  	s8 =	simm.s32 $0x0;
	s20 =	sshll.u32 s6, $0x1;
	s6 =	sadd.s32 s21, s4  }
0x9e: {  	[timem:s8], [sflag:s22] =	dma.local [hbm:s6], s20  }
0x9f: {  	_ =	swait.ge [sflag:s22], s20  }
0xa0: {  	s5 =	ssub.s32 $0x0, s20;
	[sflag:s22] =	ssyncset.done $0x0  }
0xa1: {  	[sflag:s22] =	ssyncadd.s32 s5;
	_ =	sdelay $0x1  }
0xa2: {  	s23 =	simm.s32 $0x1B8B  }
0xa3: {  	_ =	swait.ge [sflag:s23], $0x1  }
0xa4: {  	[sflag:s23] =	ssyncset.done $0x0  }
0xa5: {  	s25 =	simm.s32 $0x1B8E;
	s24 =	sld [smem:$0x3FFE];
	[sflag:s23] =	ssyncadd.s32 $0xFFFFFFFF  }
0xa6: {  	s26 =	simm.s32 $execute0_lowered;
	[smem:$0x3FD2] =	sst s25  }
0xa7: {  	s6 =	sshll.u32 s26, $0x1;
	_ =	strace $0x80000046;
	[dreg:$0x1] =	wrdreg $0xFFFFFFFF  }
0xa8: {  	s28 =	simm.s32 $_size_execute0_lowered;
	s4 =	sadd.s32 s4, s6;
	[dreg:$0x0] =	wrdreg $0x0  }
0xa9: {  	s6 =	sshll.u32 s28, $0x1;
	[dreg:$0x2] =	wrdreg s4  }
0xaa: {  	[dreg:$0x3] =	wrdreg s6  }
0xab: {  	[dreg:$0x4] =	wrdreg $0xC0  }
0xac: {  	_ =	task [dreg:s8], $0x5FFFF  }
0xad: {  	[dreg:$0x1] =	wrdreg $0xFFFFFFFF  }
0xae: {  	[dreg:$0x0] =	wrdreg $0x60  }
0xaf: {  	[dreg:$0x2] =	wrdreg s2  }
0xb0: {  	[dreg:$0x3] =	wrdreg s24  }
0xb1: {  	[dreg:$0x4] =	wrdreg s18  }
0xb2: {  	[dreg:$0x5] =	wrdreg $0x9  }
0xb3: {  	_ =	task.clear_ibuf [dreg:s8], $0x6FFFF;
	_ =	strace $0x90000046  }
0xb4: {  	s29 =	simm.s32 $0x9;
	_ =	strace $0x80000048  }
0xb5: {  	_ =	swait.ge [sflag:s29], $0x1  }
0xb6: {  	[sflag:s29] =	ssyncadd.s32 $0xFFFFFFFF  }
0xb7: {  	_ =	strace $0x90000048  }
0xb8: {  	_ =	sfence  }
0xb9: {  	s30 =	sld [smem:$0x0];
	_ =	sdelay $0x2  }
0xba: {  	s31 =	sshll.u32 s1, $0xD;
	s1 =	sshrl.u32 s1, $0x2  }
0xbb: {  	s3 =	sand.u32 $0x4000, s31;
	s1 =	sadd.s32 s1, s30  }
0xbc: {  	s0 =	sor.u32 s3, s0;
	s1 =	sshll.u32 s1, $0x11  }
0xbd: {  	s0 =	sor.u32 s1, s0  }
0xbe: {  	s0 =	sadd.s32 $0x8F2B, s0  }
0xbf: {  	[sflag:s0] =	ssyncadd.remote.s32 $0x1  }
0xc0: {  	_ =	sfence.sel $0xFFFF  }
0xc1: {  	[dreg:$0x0] =	wrdreg $0xFFFFFFFF;
	(pc) =	sbr.abs _section_cstart, $3  }
0xc2: {  	[dreg:$0x1] =	wrdreg $0xFFFFFFFF  }
0xc3: {  	_ =	task.clear_ibuf [dreg:s8], $0x2FFFF;
	_ =	strace $0x9FFFFFFF  }
0xc4: {  	(tm) =	ssettm $0x7FFFFFFF  }
0xc5: {  	_ =	shalt  }
tec
execute0_lowered:
.L_overlay_start_1:
0x0: {  	(tag) =	ssettag $0x1  }
0x1: {  	s0 =	srdreg.scid;
	s1 =	stileid.u32  }
0x2: {  	s0 =	sand.u32 $0x1, s0;
	s1 =	sshll.u32 s1, $0x1  }
0x3: {  	s24 =	rddreg [dreg:$0x0];
	s6 =	simm.s32 $0x0;
	s4 =	sor.u32 s0, s1  }
0x4: {  	[smem:$0x7FF] =	sst s6;
	s0 =	ssub.s32 $0x2, s0;
	s1 =	smul.u32 $0xA00, s4  }
0x5: {  	_ =	strace $0x80000047;
	s2 =	smul.u32 $0x140, s4;
	s3 =	sshrl.u32 s0, $0x1  }
0x6: {  	s30 =	sor.u32 $0x40, s4;
	[dreg:$0x4] =	wrdreg s4;
	s31 =	sor.u32 $0x60, s4  }
.Ltmp0:
0x7: {  	s0 =	ssub.s32 s0, s3;
	[dreg:$0x7] =	wrdreg s30;
	(pc) =	sbr.rel .LBB2_1-.Ltmp0, $4  }
0x8: {  	[dreg:$0x8] =	wrdreg s31;
	s1 =	sshrl.u32 s1, $0x3;
	s2 =	sadd.s32 s24, s2  }
0x9: {  	s0 =	smax.u32 s0, $0x1;
	s1 =	sadd.s32 s24, s1;
	[dreg:$0x5] =	wrdreg s2  }
0xa: {  	[dreg:$0x9] =	wrdreg s0;
	s1 =	sadd.s32 $0x2800, s1  }
0xb: {  	s2 =	simm.s32 $0x0;
	[dreg:$0x6] =	wrdreg s1  }
.LBB2_11:
0xc: {  	s0 =	simm.s32 $0x3  }
0xd: {  	_ =	swait.ge [sflag:s0], $0x5000  }
0xe: {  	[sflag:s0] =	ssyncset.done $0x0  }
0xf: {  	s1 =	simm.s32 $0x4;
	[sflag:s0] =	ssyncadd.s32 $0xFFFFB000  }
0x10: {  	_ =	swait.ge [sflag:s1], $0x5000  }
0x11: {  	s2 =	rddreg [dreg:$0xa]  }
0x12: {  	s31 =	rddreg [dreg:$0x9];
	s2 =	sadd.s32 $0x1, s2  }
0x13: {  	p0 =	sne.s32 s2, s31  }
.Ltmp1:
0x14: {  	_ = 	snop;
	(pc) =	sbr.rel @!p0 .LBB2_12-.Ltmp1, $3  }
0x15: {  	_ =	sdelay $0x1  }
0x16: {  	[sflag:s1] =	ssyncset.done $0x0  }
0x17: {  	[sflag:s1] =	ssyncadd.s32 $0xFFFFB000  }
.LBB2_1:
0x18: {  	[dreg:$0xa] =	wrdreg s2  }
0x19: {  	s0 =	rddreg [dreg:$0x1];
	s28 =	simm.s32 $0x5  }
0x1a: {  	[tilespmem:s6], [sflag:$0x5] =	stream.linear.gather [hbm4b:s0+s6], $0x800, $0x38;
	[tilespmem:$0xBC00] =	vst v63  }
0x1b: {  	_ =	swait.ge [sflag:s28], $0x800  }
.Ltmp2:
0x1c: {  	[sflag:s28] =	ssyncset.done $0x0;
	(pc) =	sbr.rel .LBB2_2-.Ltmp2, $4  }
0x1d: {  	s1 =	simm.s32 $0x800;
	s29 =	rddreg [dreg:$0x5];
	[sflag:s28] =	ssyncadd.s32 $0xFFFFF800  }
0x1e: {  	[tilespmem:s1], [sflag:$0x1] =	stream.linear.gather [hbm4b:s29+s6], $0xA00, $0x38;
	[tilespmem:$0xBC00] =	vst v63  }
0x1f: {  	s31 =	simm.s32 $0x1200;
	s30 =	rddreg [dreg:$0x6];
	s1 =	simm.s32 $0x0  }
0x20: {  	[tilespmem:s31], [sflag:$0x2] =	stream.linear.gather [hbm4b:s30+s6], $0xA00, $0x38;
	[tilespmem:$0xBC00] =	vst v63  }
.LBB2_10:
0x21: {  	s1 =	sadd.s32 $0x1, s1  }
0x22: {  	p0 =	sne.s32 s1, $0x28  }
.Ltmp3:
0x23: {  	_ = 	snop;
	(pc) =	sbr.rel @!p0 .LBB2_11-.Ltmp3, $1  }
0x24: {  	_ =	sdelay $0x3  }
.LBB2_2:
0x25: {  	s2 =	sshll.u32 s1, $0x6;
	s0 =	rddreg [dreg:$0x4]  }
0x26: {  	s26 =	sor.u32 s0, s2  }
0x27: {  	p1 =	sgt.u32 s26, $0x9C3  }
.Ltmp4:
0x28: {  	_ = 	snop;
	(pc) =	sbr.rel @p1 .LBB2_6-.Ltmp4, $3  }
0x29: {  	_ =	sdelay $0x1  }
0x2a: {  	[dreg:$0xb] =	wrdreg s1  }
0x2b: {  	p0 =	seq.s32 s1, $0x0;
	[dreg:$0xc] =	wrdreg s2  }
0x2c: {  	s0 =	simm.s32 $0x1  }
0x2d: {  	_ =	swait.ge [sflag:s0], $0xA00  }
0x2e: {  	s1 =	simm.s32 $0x0;
	[sflag:s0] =	ssyncset.done $0x0  }
0x2f: {  	s2 =	simm.s32 $0x0;
	[sflag:s0] =	ssyncadd.s32 $0xFFFFF600;
	s0 =	simm.s32 @!p0 $0x3  }
0x30: {  	s8 =	sand.u32 $0x40, s1;
	s14 =	sand.u32 $0xFFFFFF00, s2;
	_ =	swait.ge @!p0 [sflag:s0], $0x5000  }
0x31: {  	s1 =	sadd.s32 $0x800, s14;
	s21 =	sor.u32 $0x30, s8;
	[sflag:s0] =	ssyncset.done @!p0 $0x0  }
0x32: {  	s15 =	sor.u32 s21, s1;
	[sflag:s0] =	ssyncadd.s32 @!p0 $0xFFFFB000  }
0x33: {  	v0 =	vld [tilespmem:s15+$0x0]  }
0x34: {  	v1 =	vld [tilespmem:s15+$0x80]  }
0x35: {  	s16 =	sor.u32 s8, s1  }
0x36: {  	v2 =	vld [tilespmem:s16+$0x0]  }
0x37: {  	v3 =	vld [tilespmem:s16+$0x80]  }
0x38: {  	s11 =	sor.u32 $0x10, s8  }
0x39: {  	s12 =	sor.u32 $0x20, s8;
	s17 =	sor.u32 s11, s1;
	v0 =	vsub.s32 v0, v1  }
0x3a: {  	s1 =	sor.u32 s12, s1;
	v4 =	vld [tilespmem:s17+$0x0];
	v1 =	vsub.s32 $0x0, v0  }
0x3b: {  	v5 =	vld [tilespmem:s1+$0x0];
	v0 =	vmin.u32 v0, v1  }
0x3c: {  	v2 =	vsub.s32 v2, v3;
	v3 =	vld [tilespmem:s1+$0x80];
	v0 =	vadd.s32 $0xFFFFFFFF, v0  }
0x3d: {  	v1 =	vld [tilespmem:s17+$0x80];
	vm0 =	vgt.s32 v0, $0x0  }
0x3e: {  	v6 =	vsub.s32 $0x0, v2;
	v0 =	vnsel vm0, $0x0, v0  }
0x3f: {  	v2 =	vmin.u32 v2, v6;
	v0 =	vcvt.s32.f32 v0  }
0x40: {  	v6 =	vadd.s32 $0xFFFFFFFF, v2  }
0x41: {  	vm9 =	vgt.s32 v6, $0x0;
	v0 =	vshrl.u32 v0, $0x17  }
0x42: {  	v3 =	vsub.s32 v5, v3;
	v1 =	vsub.s32 v4, v1;
	v2 =	vmax.u32 v0, $0x7E  }
0x43: {  	v4 =	vsub.s32 $0x0, v1;
	v0 =	vnsel vm9, $0x0, v6;
	v5 =	vadd.s32 $0xFFFFFF82, v2  }
0x44: {  	v1 =	vmin.u32 v1, v4;
	v4 =	vsub.s32 $0x0, v3;
	v0 =	vcvt.s32.f32 v0  }
0x45: {  	v1 =	vadd.s32 $0xFFFFFFFF, v1;
	v3 =	vmin.u32 v3, v4  }
0x46: {  	vm10 =	vgt.s32 v1, $0x0;
	v3 =	vadd.s32 $0xFFFFFFFF, v3;
	v0 =	vshrl.u32 v0, $0x17  }
0x47: {  	v4 =	vnsel vm10, $0x0, v1;
	vm11 =	vgt.s32 v3, $0x0;
	v1 =	vmax.u32 v0, $0x7E  }
0x48: {  	v0 =	vcvt.s32.f32 v4;
	v3 =	vnsel vm11, $0x0, v3;
	v4 =	vld.idx.msk [tilespmem:v5+s6+$0x0], $0xffff;
	v5 =	vadd.s32 $0xFFFFFF82, v1  }
0x49: {  	v3 =	vcvt.s32.f32 v3  }
0x4a: {  	s18 =	simm.s32 $0x0;
	v6 =	vadd.s32 $0x2, v2;
	v0 =	vshrl.u32 v0, $0x17  }
0x4b: {  	s18 =	sand.u32 $0x3FFFFC00, s18;
	v9 =	vmax.u32 v0, $0x7E;
	v0 =	vshrl.u32 v3, $0x17  }
0x4c: {  	s0 =	sadd.s32 $0x1C00, s18;
	v3 =	vadd.s32 $0xFFFFFF82, v9;
	v10 =	vmax.u32 v0, $0x7E  }
0x4d: {  	s4 =	sor.u32 s21, s0;
	v0 =	vadd.s32 $0xFFFFFF82, v10;
	v5 =	vld.idx.msk [tilespmem:v5+s6+$0x0], $0xffff  }
0x4e: {  	[tilespmem:s4+$0x0] =	vst v4;
	v4 =	vadd.s32 $0x2, v1  }
0x4f: {  	v6 =	vld.idx.msk [tilespmem:v6+s6+$0x0], $0xffff  }
0x50: {  	v7 =	vadd.s32 $0x82, v2  }
0x51: {  	s19 =	sor.u32 s8, s0;
	v3 =	vld.idx.msk [tilespmem:v3+s6+$0x0], $0xffff  }
0x52: {  	v8 =	vadd.s32 $0x2, v9;
	v0 =	vld.idx.msk [tilespmem:v0+s6+$0x0], $0xffff;
	[tilespmem:s19+$0x0] =	vst v5  }
0x53: {  	v5 =	vadd.s32 $0x2, v10;
	v4 =	vld.idx.msk [tilespmem:v4+s6+$0x0], $0xffff  }
0x54: {  	[tilespmem:s4+$0x80] =	vst v6;
	v6 =	vadd.s32 $0x82, v1  }
0x55: {  	s3 =	sor.u32 s11, s0;
	v7 =	vld.idx.msk [tilespmem:v7+s6+$0x0], $0xffff  }
0x56: {  	s0 =	sor.u32 s12, s0;
	v11 =	vadd.s32 $0x102, v2;
	[tilespmem:s3+$0x0] =	vst v3  }
0x57: {  	v3 =	vld.idx.msk [tilespmem:v8+s6+$0x0], $0xffff;
	[tilespmem:s0+$0x0] =	vst v0  }
0x58: {  	v0 =	vadd.s32 $0x82, v9;
	v5 =	vld.idx.msk [tilespmem:v5+s6+$0x0], $0xffff;
	[tilespmem:s19+$0x80] =	vst v4  }
0x59: {  	v4 =	vadd.s32 $0x82, v10;
	v6 =	vld.idx.msk [tilespmem:v6+s6+$0x0], $0xffff  }
0x5a: {  	[tilespmem:s4+$0x100] =	vst v7;
	v7 =	vadd.s32 $0x102, v1  }
0x5b: {  	v8 =	vld.idx.msk [tilespmem:v11+s6+$0x0], $0xffff  }
0x5c: {  	v11 =	vadd.s32 $0x182, v2;
	[tilespmem:s3+$0x80] =	vst v3  }
0x5d: {  	v0 =	vld.idx.msk [tilespmem:v0+s6+$0x0], $0xffff;
	[tilespmem:s0+$0x80] =	vst v5  }
0x5e: {  	v3 =	vadd.s32 $0x102, v9;
	v4 =	vld.idx.msk [tilespmem:v4+s6+$0x0], $0xffff;
	[tilespmem:s19+$0x100] =	vst v6  }
0x5f: {  	v5 =	vadd.s32 $0x102, v10;
	v6 =	vld.idx.msk [tilespmem:v7+s6+$0x0], $0xffff  }
0x60: {  	[tilespmem:s4+$0x180] =	vst v8;
	v7 =	vadd.s32 $0x182, v1  }
0x61: {  	v8 =	vld.idx.msk [tilespmem:v11+s6+$0x0], $0xffff  }
0x62: {  	v11 =	vadd.s32 $0x202, v2;
	[tilespmem:s3+$0x100] =	vst v0  }
0x63: {  	v0 =	vld.idx.msk [tilespmem:v3+s6+$0x0], $0xffff;
	[tilespmem:s0+$0x100] =	vst v4  }
0x64: {  	v3 =	vadd.s32 $0x182, v9;
	v4 =	vld.idx.msk [tilespmem:v5+s6+$0x0], $0xffff;
	[tilespmem:s19+$0x180] =	vst v6  }
0x65: {  	v5 =	vadd.s32 $0x182, v10;
	v6 =	vld.idx.msk [tilespmem:v7+s6+$0x0], $0xffff  }
0x66: {  	[tilespmem:s4+$0x200] =	vst v8;
	v7 =	vadd.s32 $0x202, v1  }
0x67: {  	v8 =	vld.idx.msk [tilespmem:v11+s6+$0x0], $0xffff  }
0x68: {  	v11 =	vadd.s32 $0x282, v2;
	[tilespmem:s3+$0x180] =	vst v0  }
0x69: {  	v0 =	vld.idx.msk [tilespmem:v3+s6+$0x0], $0xffff;
	[tilespmem:s0+$0x180] =	vst v4  }
0x6a: {  	s7 =	simm.s32 $0x80;
	v3 =	vadd.s32 $0x202, v9;
	v4 =	vld.idx.msk [tilespmem:v5+s6+$0x0], $0xffff;
	[tilespmem:s19+$0x200] =	vst v6  }
0x6b: {  	s2 =	simm.s32 $0x40;
	s7 =	sand.u32 $0xFFFFFF00, s7;
	v5 =	vadd.s32 $0x202, v10;
	v6 =	vld.idx.msk [tilespmem:v7+s6+$0x0], $0xffff  }
0x6c: {  	s28 =	sand.u32 $0x40, s2;
	s7 =	sadd.s32 $0x800, s7;
	[tilespmem:s4+$0x280] =	vst v8;
	v7 =	vadd.s32 $0x282, v1  }
0x6d: {  	s10 =	sor.u32 s28, s7;
	v8 =	vld.idx.msk [tilespmem:v11+s6+$0x0], $0xffff  }
0x6e: {  	v12 =	vld [tilespmem:s10+$0x0];
	v11 =	vadd.s32 $0x302, v2;
	[tilespmem:s3+$0x200] =	vst v0  }
0x6f: {  	v0 =	vld.idx.msk [tilespmem:v3+s6+$0x0], $0xffff;
	[tilespmem:s0+$0x200] =	vst v4  }
0x70: {  	s29 =	sor.u32 $0x30, s28;
	v3 =	vld.idx.msk [tilespmem:v5+s6+$0x0], $0xffff;
	[tilespmem:s19+$0x280] =	vst v6  }
0x71: {  	s9 =	sor.u32 s29, s7;
	v4 =	vld.idx.msk [tilespmem:v7+s6+$0x0], $0xffff  }
0x72: {  	[tilespmem:s4+$0x300] =	vst v8;
	v7 =	vld [tilespmem:s9+$0x0]  }
0x73: {  	s30 =	sor.u32 $0x10, s28;
	v5 =	vadd.s32 $0x282, v9;
	v6 =	vld.idx.msk [tilespmem:v11+s6+$0x0], $0xffff  }
0x74: {  	s20 =	sor.u32 s30, s7;
	v11 =	vld [tilespmem:s9+$0x80]  }
0x75: {  	s31 =	sor.u32 $0x20, s28;
	v14 =	vld [tilespmem:s20+$0x0]  }
0x76: {  	s22 =	sor.u32 s31, s7;
	v8 =	vadd.s32 $0x382, v2;
	[tilespmem:s3+$0x280] =	vst v0;
	v0 =	vld [tilespmem:s10+$0x80]  }
0x77: {  	v18 =	vld [tilespmem:s22+$0x0];
	v13 =	vadd.s32 $0x282, v10  }
0x78: {  	v5 =	vld.idx.msk [tilespmem:v5+s6+$0x0], $0xffff;
	[tilespmem:s0+$0x280] =	vst v3  }
0x79: {  	v19 =	vadd.s32 $0x402, v2;
	v3 =	vld [tilespmem:s22+$0x80];
	[tilespmem:s4+$0x380] =	vst v6;
	v6 =	vadd.s32 $0x302, v1;
	v7 =	vsub.s32 v7, v11  }
0x7a: {  	v16 =	vld [tilespmem:s20+$0x80];
	v15 =	vadd.s32 $0x382, v1;
	v11 =	vadd.s32 $0x302, v9;
	v17 =	vsub.s32 $0x0, v7  }
0x7b: {  	v20 =	vadd.s32 $0x302, v10;
	v0 =	vsub.s32 v12, v0;
	v8 =	vld.idx.msk [tilespmem:v8+s6+$0x0], $0xffff;
	v7 =	vmin.u32 v7, v17  }
0x7c: {  	[tilespmem:s19+$0x300] =	vst v4;
	v4 =	vld.idx.msk [tilespmem:v13+s6+$0x0], $0xffff;
	v13 =	vadd.s32 $0x402, v1;
	v17 =	vsub.s32 $0x0, v0;
	v7 =	vadd.s32 $0xFFFFFFFF, v7  }
0x7d: {  	v12 =	vadd.s32 $0x382, v9;
	v0 =	vmin.u32 v0, v17;
	vm12 =	vgt.s32 v7, $0x0  }
0x7e: {  	s23 =	sadd.s32 $0x4400, s18;
	[tilespmem:s3+$0x300] =	vst v5;
	v3 =	vsub.s32 v18, v3;
	v0 =	vadd.s32 $0xFFFFFFFF, v0;
	v5 =	vld.idx.msk [tilespmem:v6+s6+$0x0], $0xffff;
	v6 =	vnsel vm12, $0x0, v7  }
0x7f: {  	s25 =	sor.u32 s21, s23;
	v7 =	vsub.s32 v14, v16;
	v11 =	vld.idx.msk [tilespmem:v11+s6+$0x0], $0xffff;
	vm13 =	vgt.s32 v0, $0x0;
	v6 =	vcvt.s32.f32 v6  }
0x80: {  	[tilespmem:s25+$0x0] =	vst v8;
	v8 =	vadd.s32 $0x382, v10;
	v14 =	vsub.s32 $0x0, v7;
	v17 =	vnsel vm13, $0x0, v0  }
0x81: {  	v16 =	vld.idx.msk [tilespmem:v19+s6+$0x0], $0xffff;
	v7 =	vmin.u32 v7, v14;
	v14 =	vsub.s32 $0x0, v3;
	v0 =	vshrl.u32 v6, $0x17  }
0x82: {  	[tilespmem:s0+$0x300] =	vst v4;
	v6 =	vadd.s32 $0x482, v2;
	v4 =	vadd.s32 $0xFFFFFFFF, v7;
	v0 =	vmax.u32 v0, $0x7E  }
0x83: {  	v3 =	vmin.u32 v3, v14;
	v14 =	vcvt.s32.f32 v17;
	v7 =	vadd.s32 $0xFFFFFF82, v0;
	[tilespmem:s19+$0x380] =	vst v5;
	v5 =	vld.idx.msk [tilespmem:v20+s6+$0x0], $0xffff  }
0x84: {  	s5 =	sadd.s32 $0x4480, s18;
	vm14 =	vgt.s32 v4, $0x0;
	v3 =	vadd.s32 $0xFFFFFFFF, v3;
	[tilespmem:s3+$0x380] =	vst v11;
	v11 =	vadd.s32 $0x402, v9;
	v15 =	vld.idx.msk [tilespmem:v15+s6+$0x0], $0xffff  }
0x85: {  	s10 =	sor.u32 s21, s5;
	v4 =	vnsel vm14, $0x0, v4;
	vm15 =	vgt.s32 v3, $0x0;
	v14 =	vshrl.u32 v14, $0x17;
	v12 =	vld.idx.msk [tilespmem:v12+s6+$0x0], $0xffff  }
0x86: {  	v4 =	vcvt.s32.f32 v4;
	v3 =	vnsel vm15, $0x0, v3;
	v22 =	vmax.u32 v14, $0x7E;
	[tilespmem:s10+$0x0] =	vst v16  }
0x87: {  	v3 =	vcvt.s32.f32 v3;
	v16 =	vadd.s32 $0xFFFFFF82, v22;
	v6 =	vld.idx.msk [tilespmem:v6+s6+$0x0], $0xffff  }
0x88: {  	s13 =	sor.u32 s8, s23;
	v14 =	vadd.s32 $0x502, v2;
	v4 =	vshrl.u32 v4, $0x17;
	v7 =	vld.idx.msk [tilespmem:v7+s6+$0x0], $0xffff;
	[tilespmem:s0+$0x380] =	vst v5  }
0x89: {  	s14 =	simm.s32 $0x200;
	s15 =	sor.u32 s11, s23;
	v23 =	vmax.u32 v4, $0x7E;
	v3 =	vshrl.u32 v3, $0x17;
	v4 =	vadd.s32 $0x2, v0;
	[tilespmem:s13+$0x0] =	vst v15;
	v5 =	vld.idx.msk [tilespmem:v8+s6+$0x0], $0xffff  }
0x8a: {  	s9 =	sadd.s32 $0x4500, s18;
	v39 =	vmax.u32 v3, $0x7E;
	s0 =	sand.u32 $0x3FFFFC00, s14;
	v8 =	vadd.s32 $0xFFFFFF82, v23;
	[tilespmem:s15+$0x0] =	vst v12;
	v3 =	vld.idx.msk [tilespmem:v13+s6+$0x0], $0xffff  }
0x8b: {  	s16 =	sor.u32 s21, s9;
	v12 =	vadd.s32 $0xFFFFFF82, v39;
	s17 =	sadd.s32 $0x1C00, s0;
	v11 =	vld.idx.msk [tilespmem:v11+s6+$0x0], $0xffff  }
0x8c: {  	s7 =	sor.u32 s29, s17;
	v15 =	vld.idx.msk [tilespmem:v16+s6+$0x0], $0xffff;
	[tilespmem:s16+$0x0] =	vst v6;
	v6 =	vadd.s32 $0x402, v10  }
0x8d: {  	v16 =	vadd.s32 $0x2, v22;
	v13 =	vld.idx.msk [tilespmem:v14+s6+$0x0], $0xffff;
	[tilespmem:s7+$0x0] =	vst v7  }
0x8e: {  	s19 =	sor.u32 s12, s23;
	v14 =	vadd.s32 $0x482, v1;
	v4 =	vld.idx.msk [tilespmem:v4+s6+$0x0], $0xffff  }
0x8f: {  	s20 =	sor.u32 s8, s5;
	v7 =	vadd.s32 $0x582, v2;
	v8 =	vld.idx.msk [tilespmem:v8+s6+$0x0], $0xffff;
	[tilespmem:s19+$0x0] =	vst v5  }
0x90: {  	s14 =	sor.u32 s28, s17;
	v5 =	vld.idx.msk [tilespmem:v12+s6+$0x0], $0xffff;
	v12 =	vadd.s32 $0x82, v0;
	[tilespmem:s20+$0x0] =	vst v3  }
0x91: {  	s22 =	sor.u32 s11, s5;
	s4 =	sadd.s32 $0x4580, s18;
	v3 =	vadd.s32 $0x2, v23;
	[tilespmem:s14+$0x0] =	vst v15;
	v6 =	vld.idx.msk [tilespmem:v6+s6+$0x0], $0xffff  }
0x92: {  	s23 =	sor.u32 s21, s4;
	[tilespmem:s22+$0x0] =	vst v11;
	v11 =	vadd.s32 $0x2, v39;
	v16 =	vld.idx.msk [tilespmem:v16+s6+$0x0], $0xffff  }
0x93: {  	v14 =	vld.idx.msk [tilespmem:v14+s6+$0x0], $0xffff;
	[tilespmem:s23+$0x0] =	vst v13;
	v13 =	vadd.s32 $0x482, v9  }
0x94: {  	s13 =	sor.u32 s30, s17;
	v15 =	vadd.s32 $0x482, v10;
	v7 =	vld.idx.msk [tilespmem:v7+s6+$0x0], $0xffff;
	[tilespmem:s7+$0x80] =	vst v4  }
0x95: {  	s3 =	sor.u32 s31, s17;
	[tilespmem:s13+$0x0] =	vst v8;
	v8 =	vadd.s32 $0x602, v2;
	v4 =	vld.idx.msk [tilespmem:v12+s6+$0x0], $0xffff  }
0x96: {  	s25 =	sor.u32 s12, s5;
	[tilespmem:s3+$0x0] =	vst v5;
	v12 =	vadd.s32 $0x82, v22;
	v3 =	vld.idx.msk [tilespmem:v3+s6+$0x0], $0xffff  }
0x97: {  	s1 =	sadd.s32 $0x4600, s18;
	s15 =	sor.u32 s8, s9;
	v5 =	vld.idx.msk [tilespmem:v11+s6+$0x0], $0xffff;
	v11 =	vadd.s32 $0x102, v0;
	[tilespmem:s25+$0x0] =	vst v6  }
0x98: {  	s5 =	sor.u32 s21, s1;
	v6 =	vadd.s32 $0x82, v23;
	[tilespmem:s15+$0x0] =	vst v14;
	v13 =	vld.idx.msk [tilespmem:v13+s6+$0x0], $0xffff  }
0x99: {  	v14 =	vadd.s32 $0x82, v39;
	v15 =	vld.idx.msk [tilespmem:v15+s6+$0x0], $0xffff;
	[tilespmem:s5+$0x0] =	vst v7  }
0x9a: {  	[tilespmem:s14+$0x80] =	vst v16;
	v7 =	vadd.s32 $0x502, v1;
	v8 =	vld.idx.msk [tilespmem:v8+s6+$0x0], $0xffff  }
0x9b: {  	v16 =	vadd.s32 $0x502, v9;
	v12 =	vld.idx.msk [tilespmem:v12+s6+$0x0], $0xffff;
	[tilespmem:s7+$0x100] =	vst v4  }
0x9c: {  	[tilespmem:s13+$0x80] =	vst v3;
	v4 =	vadd.s32 $0x682, v2;
	v3 =	vld.idx.msk [tilespmem:v11+s6+$0x0], $0xffff  }
0x9d: {  	s10 =	sor.u32 s11, s9;
	[tilespmem:s3+$0x80] =	vst v5;
	v11 =	vadd.s32 $0x102, v22;
	v6 =	vld.idx.msk [tilespmem:v6+s6+$0x0], $0xffff  }
0x9e: {  	s9 =	sor.u32 s12, s9;
	s16 =	sadd.s32 $0x4680, s18;
	v5 =	vld.idx.msk [tilespmem:v14+s6+$0x0], $0xffff;
	v14 =	vadd.s32 $0x182, v0;
	[tilespmem:s10+$0x0] =	vst v13  }
0x9f: {  	s17 =	sor.u32 s21, s16;
	v13 =	vadd.s32 $0x102, v23;
	[tilespmem:s9+$0x0] =	vst v15;
	v17 =	vld.idx.msk [tilespmem:v7+s6+$0x0], $0xffff  }
0xa0: {  	v15 =	vadd.s32 $0x102, v39;
	v16 =	vld.idx.msk [tilespmem:v16+s6+$0x0], $0xffff;
	[tilespmem:s17+$0x0] =	vst v8  }
0xa1: {  	v18 =	vadd.s32 $0x502, v10;
	[tilespmem:s14+$0x100] =	vst v12;
	v12 =	vld.idx.msk [tilespmem:v4+s6+$0x0], $0xffff  }
0xa2: {  	v19 =	vadd.s32 $0x582, v1;
	v11 =	vld.idx.msk [tilespmem:v11+s6+$0x0], $0xffff;
	[tilespmem:s7+$0x180] =	vst v3  }
0xa3: {  	v27 =	vadd.s32 $0x602, v1;
	v52 =	vadd.s32 $0x682, v1;
	v28 =	vadd.s32 $0x582, v9;
	[tilespmem:s13+$0x100] =	vst v6;
	v14 =	vld.idx.msk [tilespmem:v14+s6+$0x0], $0xffff  }
0xa4: {  	v51 =	vadd.s32 $0x702, v1;
	v53 =	vadd.s32 $0x682, v9;
	v20 =	vadd.s32 $0x702, v2;
	s19 =	sor.u32 s8, s4;
	v13 =	vld.idx.msk [tilespmem:v13+s6+$0x0], $0xffff;
	[tilespmem:s3+$0x100] =	vst v5  }
0xa5: {  	v49 =	vadd.s32 $0x702, v9;
	v30 =	vadd.s32 $0x582, v10;
	v21 =	vadd.s32 $0x182, v22;
	s20 =	sor.u32 s11, s4;
	v15 =	vld.idx.msk [tilespmem:v15+s6+$0x0], $0xffff;
	[tilespmem:s19+$0x0] =	vst v17;
	s19 =	sadd.s32 $0x4700, s18  }
0xa6: {  	v50 =	vadd.s32 $0x702, v10;
	v24 =	vadd.s32 $0x202, v0;
	v47 =	vadd.s32 $0x282, v0;
	[tilespmem:s20+$0x0] =	vst v16;
	v16 =	vld.idx.msk [tilespmem:v18+s6+$0x0], $0xffff;
	s22 =	sor.u32 s21, s19  }
0xa7: {  	v35 =	vadd.s32 $0x202, v22;
	v36 =	vadd.s32 $0x282, v22;
	v17 =	vadd.s32 $0x182, v23;
	v18 =	vld.idx.msk [tilespmem:v19+s6+$0x0], $0xffff;
	[tilespmem:s22+$0x0] =	vst v12  }
0xa8: {  	v32 =	vadd.s32 $0x302, v22;
	v6 =	vadd.s32 $0x602, v9;
	v9 =	vadd.s32 $0x182, v39;
	v48 =	vld.idx.msk [tilespmem:v28+s6+$0x0], $0xffff;
	[tilespmem:s14+$0x180] =	vst v11  }
0xa9: {  	v26 =	vadd.s32 $0x382, v22;
	v7 =	vadd.s32 $0x602, v10;
	v8 =	vadd.s32 $0x682, v10;
	v10 =	vld.idx.msk [tilespmem:v20+s6+$0x0], $0xffff;
	[tilespmem:s7+$0x200] =	vst v14  }
0xaa: {  	v59 =	vadd.s32 $0x482, v22;
	v40 =	vadd.s32 $0x202, v23;
	v34 =	vadd.s32 $0x282, v23;
	v11 =	vld.idx.msk [tilespmem:v21+s6+$0x0], $0xffff;
	[tilespmem:s13+$0x180] =	vst v13  }
0xab: {  	v31 =	vadd.s32 $0x302, v23;
	v25 =	vadd.s32 $0x382, v23;
	v58 =	vadd.s32 $0x482, v23;
	s4 =	sor.u32 s12, s4;
	v37 =	vld.idx.msk [tilespmem:v24+s6+$0x0], $0xffff;
	[tilespmem:s3+$0x180] =	vst v15  }
0xac: {  	v55 =	vadd.s32 $0x502, v23;
	v38 =	vadd.s32 $0x602, v23;
	v46 =	vadd.s32 $0x202, v39;
	s23 =	sor.u32 s8, s1;
	s18 =	sadd.s32 $0x4780, s18;
	v41 =	vld.idx.msk [tilespmem:v17+s6+$0x0], $0xffff;
	[tilespmem:s4+$0x0] =	vst v16  }
0xad: {  	v33 =	vadd.s32 $0x282, v39;
	v29 =	vadd.s32 $0x302, v39;
	s25 =	sor.u32 s21, s18;
	v19 =	vadd.s32 $0x482, v39;
	v42 =	vld.idx.msk [tilespmem:v9+s6+$0x0], $0xffff;
	[tilespmem:s23+$0x0] =	vst v18  }
0xae: {  	v28 =	vadd.s32 $0x682, v39;
	v12 =	vadd.s32 $0x402, v39;
	v20 =	vadd.s32 $0x402, v23;
	v43 =	vld.idx.msk [tilespmem:v30+s6+$0x0], $0xffff;
	[tilespmem:s25+$0x0] =	vst v10  }
0xaf: {  	v21 =	vadd.s32 $0x402, v22;
	v13 =	vadd.s32 $0x582, v23;
	v24 =	vadd.s32 $0x382, v39;
	v44 =	vld.idx.msk [tilespmem:v27+s6+$0x0], $0xffff;
	[tilespmem:s14+$0x200] =	vst v11  }
0xb0: {  	s15 =	sor.u32 s8, s16;
	s9 =	sor.u32 s11, s16;
	s10 =	sor.u32 s12, s16;
	v16 =	vadd.s32 $0x502, v22;
	v15 =	vadd.s32 $0x502, v39;
	v9 =	vadd.s32 $0x602, v22;
	v45 =	vld.idx.msk [tilespmem:v35+s6+$0x0], $0xffff;
	[tilespmem:s7+$0x280] =	vst v37  }
0xb1: {  	s17 =	sor.u32 s12, s1;
	s16 =	sor.u32 s8, s19;
	s20 =	sor.u32 s12, s19;
	v30 =	vadd.s32 $0x682, v23;
	v23 =	vadd.s32 $0x702, v23;
	v27 =	vadd.s32 $0x702, v22;
	[tilespmem:s13+$0x200] =	vst v41;
	v41 =	vld.idx.msk [tilespmem:v47+s6+$0x0], $0xffff  }
0xb2: {  	s21 =	sor.u32 s11, s18;
	s22 =	sor.u32 s11, s1;
	s1 =	sor.u32 s11, s19;
	v10 =	vadd.s32 $0x582, v22;
	v11 =	vadd.s32 $0x582, v39;
	v37 =	vadd.s32 $0x602, v39;
	[tilespmem:s3+$0x200] =	vst v42;
	v42 =	vld.idx.msk [tilespmem:v40+s6+$0x0], $0xffff  }
0xb3: {  	s11 =	sor.u32 s12, s18;
	s4 =	sor.u32 s8, s18;
	s8 =	simm.s32 $0x4;
	[tilespmem:s22+$0x0] =	vst v48;
	v35 =	vadd.s32 $0x682, v22;
	v22 =	vadd.s32 $0x702, v39;
	v40 =	vadd.s32 $0x302, v0;
	v39 =	vld.idx.msk [tilespmem:v46+s6+$0x0], $0xffff  }
.LBB2_4:
0xb4: {  	_ =	sdelay $0x2  }
0xb5: {  	[tilespmem:s17+$0x0] =	vst v43  }
0xb6: {  	s8 =	sadd.s32 $0x4, s8;
	v46 =	vld.idx.msk [tilespmem:v6+s6+$0x0], $0xffff;
	[tilespmem:s15+$0x0] =	vst v44  }
0xb7: {  	s17 =	sshll.u32 s8, $0x7;
	v44 =	vld.idx.msk [tilespmem:v7+s6+$0x0], $0xffff;
	[tilespmem:s7+$0x300] =	vst v41  }
0xb8: {  	s2 =	sadd.s32 $0x40, s2;
	s18 =	sshra.s32 s17, $0x2;
	[tilespmem:s13+$0x280] =	vst v42;
	v48 =	vld.idx.msk [tilespmem:v40+s6+$0x0], $0xffff  }
0xb9: {  	s12 =	sand.u32 $0x40, s2;
	[tilespmem:s14+$0x280] =	vst v45;
	s15 =	sand.u32 $0xFFFFFF00, s18;
	v34 =	vld.idx.msk [tilespmem:v34+s6+$0x0], $0xffff  }
0xba: {  	s22 =	sor.u32 $0x30, s12;
	v45 =	vld.idx.msk [tilespmem:v52+s6+$0x0], $0xffff;
	s15 =	sadd.s32 $0x800, s15  }
0xbb: {  	v47 =	vld.idx.msk [tilespmem:v36+s6+$0x0], $0xffff;
	s5 =	sor.u32 s22, s15  }
0xbc: {  	v52 =	vld [tilespmem:s5+$0x0]  }
0xbd: {  	v54 =	vadd.s32 $0x382, v0;
	s23 =	sor.u32 $0x10, s12;
	[tilespmem:s3+$0x280] =	vst v39;
	s19 =	sor.u32 s12, s15;
	v41 =	vld [tilespmem:s5+$0x80]  }
0xbe: {  	s18 =	sor.u32 $0x20, s12;
	s25 =	sor.u32 s23, s15;
	v56 =	vld [tilespmem:s19+$0x0];
	[tilespmem:s9+$0x0] =	vst v46  }
0xbf: {  	s15 =	sor.u32 s18, s15;
	[tilespmem:s10+$0x0] =	vst v44;
	v57 =	vld [tilespmem:s25+$0x0]  }
0xc0: {  	[tilespmem:$0x1FFF0] =	vst v9;
	v62 =	vld [tilespmem:s15+$0x0]  }
0xc1: {  	v1 =	vmov v38;
	[tilespmem:s7+$0x380] =	vst v48;
	v44 =	vld [tilespmem:s15+$0x80]  }
0xc2: {  	[tilespmem:s13+$0x300] =	vst v34;
	v60 =	vld.idx.msk [tilespmem:v54+s6+$0x0], $0xffff  }
0xc3: {  	[tilespmem:s16+$0x0] =	vst v45;
	v61 =	vld [tilespmem:s25+$0x80]  }
0xc4: {  	v63 =	vadd.s32 $0x402, v0;
	[tilespmem:$0x1FFD0] =	vst v1;
	v1 =	vmov v37;
	v37 =	vld [tilespmem:s19+$0x80]  }
0xc5: {  	[tilespmem:$0x1FFC0] =	vst v11;
	v33 =	vld.idx.msk [tilespmem:v33+s6+$0x0], $0xffff;
	v39 =	vsub.s32 v52, v41  }
0xc6: {  	v11 =	vmov v30;
	v31 =	vld.idx.msk [tilespmem:v31+s6+$0x0], $0xffff;
	[tilespmem:s14+$0x300] =	vst v47;
	s19 =	sadd.s32 $0x4400, s0;
	v41 =	vsub.s32 $0x0, v39  }
0xc7: {  	[tilespmem:$0x1FFE0] =	vst v1;
	v54 =	vadd.s32 $0x482, v0;
	v32 =	vld.idx.msk [tilespmem:v32+s6+$0x0], $0xffff;
	s25 =	sor.u32 s29, s19;
	v39 =	vmin.u32 v39, v41;
	v52 =	vsub.s32 v62, v44  }
0xc8: {  	v1 =	vmovc v35;
	v53 =	vld.idx.msk [tilespmem:v53+s6+$0x0], $0xffff;
	v39 =	vadd.s32 $0xFFFFFFFF, v39;
	v35 =	vsub.s32 v57, v61;
	[tilespmem:s25+$0x0] =	vst v60;
	v30 =	vsub.s32 $0x0, v52  }
0xc9: {  	[tilespmem:$0x1FFB0] =	vst v13;
	v13 =	vmovc v10;
	v37 =	vsub.s32 v56, v37;
	vm0 =	vgt.s32 v39, $0x0;
	v47 =	vsub.s32 $0x0, v35;
	v48 =	vld.idx.msk [tilespmem:v63+s6+$0x0], $0xffff  }
0xca: {  	v10 =	vmovc v27;
	v56 =	vld.idx.msk [tilespmem:v8+s6+$0x0], $0xffff;
	v30 =	vmin.u32 v52, v30;
	[tilespmem:s3+$0x300] =	vst v33;
	v45 =	vsub.s32 $0x0, v37;
	v46 =	vnsel vm0, $0x0, v39  }
0xcb: {  	[tilespmem:$0x1FF90] =	vst v1;
	v34 =	vmin.u32 v35, v47;
	v27 =	vadd.s32 $0xFFFFFFFF, v30;
	v29 =	vld.idx.msk [tilespmem:v29+s6+$0x0], $0xffff;
	v37 =	vmin.u32 v37, v45  }
0xcc: {  	v1 =	vmovc v28;
	v57 =	vld.idx.msk [tilespmem:v51+s6+$0x0], $0xffff;
	[tilespmem:s14+$0x380] =	vst v32;
	s14 =	sadd.s32 $0x4480, s0;
	v36 =	vcvt.s32.f32 v46;
	v28 =	vadd.s32 $0xFFFFFFFF, v34;
	v37 =	vadd.s32 $0xFFFFFFFF, v37  }
0xcd: {  	[tilespmem:s13+$0x380] =	vst v31;
	vm15 =	vgt.s32 v27, $0x0;
	s25 =	sor.u32 s29, s14;
	vm14 =	vgt.s32 v28, $0x0;
	vm13 =	vgt.s32 v37, $0x0  }
0xce: {  	v26 =	vld.idx.msk [tilespmem:v26+s6+$0x0], $0xffff;
	v27 =	vnsel vm15, $0x0, v27;
	v28 =	vnsel vm14, $0x0, v28;
	v37 =	vnsel vm13, $0x0, v37;
	[tilespmem:s25+$0x0] =	vst v48  }
0xcf: {  	v25 =	vld.idx.msk [tilespmem:v25+s6+$0x0], $0xffff;
	v36 =	vshrl.u32 v36, $0x17;
	v28 =	vcvt.s32.f32 v28;
	[tilespmem:s20+$0x0] =	vst v56;
	v60 =	vcvt.s32.f32 v37  }
0xd0: {  	v63 =	vadd.s32 $0x502, v0;
	v61 =	vcvt.s32.f32 v27;
	v39 =	vmax.u32 v36, $0x7E;
	v62 =	vld.idx.msk [tilespmem:v54+s6+$0x0], $0xffff;
	[tilespmem:s3+$0x380] =	vst v29  }
0xd1: {  	[tilespmem:s1+$0x0] =	vst v53;
	v30 =	vadd.s32 $0xFFFFFF82, v39;
	v28 =	vshrl.u32 v28, $0x17;
	v24 =	vld.idx.msk [tilespmem:v24+s6+$0x0], $0xffff;
	v31 =	vshrl.u32 v60, $0x17  }
0xd2: {  	s15 =	sor.u32 s28, s19;
	v8 =	vmovc v23;
	[tilespmem:s4+$0x0] =	vst v57;
	v23 =	vmax.u32 v28, $0x7E;
	v28 =	vshrl.u32 v61, $0x17;
	v27 =	vmax.u32 v31, $0x7E;
	v31 =	vld.idx.msk [tilespmem:v49+s6+$0x0], $0xffff  }
0xd3: {  	s7 =	sor.u32 s30, s19;
	[tilespmem:s15+$0x0] =	vst v26;
	v49 =	vmax.u32 v28, $0x7E;
	v28 =	vld.idx.msk [tilespmem:v50+s6+$0x0], $0xffff;
	v56 =	vadd.s32 $0xFFFFFF82, v27  }
0xd4: {  	s10 =	sor.u32 s31, s19;
	s13 =	sadd.s32 $0x4500, s0;
	s16 =	sor.u32 s28, s14;
	v21 =	vld.idx.msk [tilespmem:v21+s6+$0x0], $0xffff;
	v57 =	vadd.s32 $0xFFFFFF82, v23;
	[tilespmem:s7+$0x0] =	vst v25  }
0xd5: {  	[tilespmem:$0x1FFA0] =	vst v1;
	s19 =	sor.u32 s30, s14;
	s9 =	sor.u32 s31, s14;
	s14 =	sor.u32 s29, s13;
	v29 =	vadd.s32 $0xFFFFFF82, v49;
	v20 =	vld.idx.msk [tilespmem:v20+s6+$0x0], $0xffff  }
0xd6: {  	v30 =	vld.idx.msk [tilespmem:v30+s6+$0x0], $0xffff;
	[tilespmem:s14+$0x0] =	vst v62  }
0xd7: {  	v36 =	vadd.s32 $0x2, v39;
	v60 =	vld.idx.msk [tilespmem:v63+s6+$0x0], $0xffff;
	[tilespmem:s21+$0x0] =	vst v31  }
0xd8: {  	s4 =	sand.u32 $0x3FFFFC00, s17;
	[tilespmem:s11+$0x0] =	vst v28;
	v54 =	vld.idx.msk [tilespmem:v56+s6+$0x0], $0xffff  }
0xd9: {  	s20 =	sadd.s32 $0x1C00, s4;
	v61 =	vadd.s32 $0x582, v0;
	v28 =	vld.idx.msk [tilespmem:v57+s6+$0x0], $0xffff;
	[tilespmem:s10+$0x0] =	vst v24  }
0xda: {  	v9 =	vmov v22;
	s7 =	sor.u32 s22, s20;
	v22 =	vadd.s32 $0x2, v27;
	[tilespmem:s16+$0x0] =	vst v21;
	v35 =	vld.idx.msk [tilespmem:v29+s6+$0x0], $0xffff  }
0xdb: {  	v37 =	vadd.s32 $0x2, v23;
	s21 =	sadd.s32 $0x4580, s0;
	[tilespmem:s7+$0x0] =	vst v30;
	v57 =	vld.idx.msk [tilespmem:v12+s6+$0x0], $0xffff  }
0xdc: {  	v51 =	vadd.s32 $0x2, v49;
	[tilespmem:s19+$0x0] =	vst v20;
	s25 =	sor.u32 s29, s21;
	v30 =	vld.idx.msk [tilespmem:v36+s6+$0x0], $0xffff  }
0xdd: {  	v17 =	vmov v58;
	s1 =	sor.u32 s31, s13;
	s14 =	sor.u32 s12, s20;
	v58 =	vld.idx.msk [tilespmem:v59+s6+$0x0], $0xffff;
	[tilespmem:s25+$0x0] =	vst v60  }
0xde: {  	v14 =	vmov v55;
	s17 =	sor.u32 s28, s13;
	s15 =	sor.u32 s30, s13;
	s13 =	sor.u32 s23, s20;
	v56 =	vadd.s32 $0x82, v39;
	v55 =	vld.idx.msk [tilespmem:v61+s6+$0x0], $0xffff;
	[tilespmem:s14+$0x0] =	vst v54  }
0xdf: {  	v2 =	vadd.s32 $0x602, v0;
	s3 =	sor.u32 s18, s20;
	v52 =	vadd.s32 $0x82, v23;
	[tilespmem:s13+$0x0] =	vst v28;
	v59 =	vld.idx.msk [tilespmem:v22+s6+$0x0], $0xffff  }
0xe0: {  	v50 =	vadd.s32 $0x82, v27;
	v53 =	vadd.s32 $0x82, v49;
	v47 =	vadd.s32 $0x102, v49;
	v4 =	vld.idx.msk [tilespmem:v37+s6+$0x0], $0xffff;
	[tilespmem:s3+$0x0] =	vst v35  }
0xe1: {  	v44 =	vadd.s32 $0x182, v49;
	v40 =	vadd.s32 $0x202, v49;
	v33 =	vadd.s32 $0x282, v49;
	[tilespmem:s7+$0x80] =	vst v30;
	v51 =	vld.idx.msk [tilespmem:v51+s6+$0x0], $0xffff  }
0xe2: {  	v1 =	vadd.s32 $0x502, v49;
	v6 =	vadd.s32 $0x582, v49;
	v62 =	vadd.s32 $0x482, v49;
	s10 =	sadd.s32 $0x4600, s0;
	[tilespmem:s9+$0x0] =	vst v57;
	v57 =	vld.idx.msk [tilespmem:v17+s6+$0x0], $0xffff  }
0xe3: {  	v24 =	vadd.s32 $0x382, v49;
	v29 =	vadd.s32 $0x302, v49;
	v12 =	vadd.s32 $0x402, v49;
	s25 =	sor.u32 s29, s10;
	[tilespmem:s17+$0x0] =	vst v58;
	v56 =	vld.idx.msk [tilespmem:v56+s6+$0x0], $0xffff  }
0xe4: {  	v28 =	vadd.s32 $0x682, v49;
	v37 =	vadd.s32 $0x602, v49;
	v22 =	vadd.s32 $0x702, v49;
	v49 =	vld.idx.msk [tilespmem:v19+s6+$0x0], $0xffff;
	[tilespmem:s25+$0x0] =	vst v55  }
0xe5: {  	v7 =	vadd.s32 $0x102, v39;
	v2 =	vld.idx.msk [tilespmem:v2+s6+$0x0], $0xffff;
	[tilespmem:s14+$0x80] =	vst v59  }
0xe6: {  	[tilespmem:s13+$0x80] =	vst v4;
	v50 =	vld.idx.msk [tilespmem:v50+s6+$0x0], $0xffff  }
0xe7: {  	v54 =	vadd.s32 $0x482, v23;
	v52 =	vld.idx.msk [tilespmem:v52+s6+$0x0], $0xffff  }
0xe8: {  	v58 =	vmov v54;
	[tilespmem:s3+$0x80] =	vst v51;
	v54 =	vld.idx.msk [tilespmem:v16+s6+$0x0], $0xffff  }
0xe9: {  	v48 =	vadd.s32 $0x102, v23;
	[tilespmem:s7+$0x100] =	vst v56;
	v51 =	vld.idx.msk [tilespmem:v53+s6+$0x0], $0xffff  }
0xea: {  	s16 =	sor.u32 s28, s21;
	[tilespmem:s15+$0x0] =	vst v57;
	v4 =	vld.idx.msk [tilespmem:v7+s6+$0x0], $0xffff;
	v7 =	vadd.s32 $0x682, v0  }
0xeb: {  	v46 =	vadd.s32 $0x102, v27;
	s20 =	sor.u32 s30, s21;
	s11 =	sor.u32 s31, s21;
	s21 =	sor.u32 s28, s10;
	v19 =	vmov v62;
	v62 =	vld.idx.msk [tilespmem:v14+s6+$0x0], $0xffff  }
0xec: {  	s19 =	sor.u32 s30, s10;
	s17 =	sor.u32 s31, s10;
	s10 =	sadd.s32 $0x4680, s0;
	[tilespmem:s1+$0x0] =	vst v49;
	v49 =	vmov v8;
	v8 =	vld [tilespmem:$0x1FFA0]  }
0xed: {  	s25 =	sor.u32 s29, s10;
	[tilespmem:s13+$0x100] =	vst v52;
	v52 =	vld [tilespmem:$0x1FF90]  }
0xee: {  	[tilespmem:s25+$0x0] =	vst v2;
	v57 =	vld.idx.msk [tilespmem:v48+s6+$0x0], $0xffff  }
0xef: {  	v53 =	vadd.s32 $0x182, v39;
	[tilespmem:s14+$0x100] =	vst v50;
	v2 =	vld.idx.msk [tilespmem:v7+s6+$0x0], $0xffff  }
0xf0: {  	[tilespmem:s3+$0x100] =	vst v51;
	v7 =	vld.idx.msk [tilespmem:v46+s6+$0x0], $0xffff  }
0xf1: {  	v61 =	vadd.s32 $0x502, v23;
	v56 =	vadd.s32 $0x702, v0;
	v47 =	vld.idx.msk [tilespmem:v47+s6+$0x0], $0xffff  }
0xf2: {  	v43 =	vadd.s32 $0x182, v27;
	v55 =	vmov v61;
	[tilespmem:s16+$0x0] =	vst v54;
	v61 =	vld.idx.msk [tilespmem:v15+s6+$0x0], $0xffff  }
0xf3: {  	s5 =	sadd.s32 $0x4700, s0;
	[tilespmem:s7+$0x180] =	vst v4;
	v15 =	vmov v1;
	v1 =	vld.idx.msk [tilespmem:v13+s6+$0x0], $0xffff  }
0xf4: {  	v5 =	vadd.s32 $0x582, v23;
	s25 =	sor.u32 s29, s5;
	v4 =	vld.idx.msk [tilespmem:v53+s6+$0x0], $0xffff  }
0xf5: {  	v45 =	vadd.s32 $0x182, v23;
	v13 =	vmov v5;
	v5 =	vld [tilespmem:$0x1FFC0];
	[tilespmem:s25+$0x0] =	vst v2  }
0xf6: {  	v60 =	vadd.s32 $0x502, v27;
	v0 =	vmov v39;
	[tilespmem:s14+$0x180] =	vst v7;
	v2 =	vld.idx.msk [tilespmem:v56+s6+$0x0], $0xffff  }
0xf7: {  	v16 =	vmov v60;
	v60 =	vadd.s32 $0x202, v0;
	[tilespmem:s20+$0x0] =	vst v62;
	v7 =	vld.idx.msk [tilespmem:v43+s6+$0x0], $0xffff  }
0xf8: {  	[tilespmem:s21+$0x0] =	vst v1;
	v1 =	vld [tilespmem:$0x1FFB0]  }
0xf9: {  	v53 =	vmov v11;
	v11 =	vmov v6;
	v6 =	vld [tilespmem:$0x1FFD0];
	[tilespmem:s13+$0x180] =	vst v57  }
0xfa: {  	s1 =	sor.u32 s30, s5;
	v39 =	vld.idx.msk [tilespmem:v45+s6+$0x0], $0xffff;
	[tilespmem:s3+$0x180] =	vst v47  }
0xfb: {  	s20 =	sor.u32 s31, s5;
	s16 =	sor.u32 s28, s5;
	s5 =	sadd.s32 $0x4780, s0;
	[tilespmem:s7+$0x200] =	vst v4;
	v62 =	vld.idx.msk [tilespmem:v44+s6+$0x0], $0xffff  }
0xfc: {  	v41 =	vadd.s32 $0x202, v27;
	v63 =	vadd.s32 $0x582, v27;
	s25 =	sor.u32 s29, s5;
	[tilespmem:s11+$0x0] =	vst v61;
	v4 =	vld.idx.msk [tilespmem:v60+s6+$0x0], $0xffff  }
0xfd: {  	v51 =	vmov v10;
	v10 =	vmov v63;
	v63 =	vadd.s32 $0x282, v0;
	[tilespmem:s25+$0x0] =	vst v2;
	v2 =	vld [tilespmem:$0x1FFF0]  }
0xfe: {  	v43 =	vld.idx.msk [tilespmem:v5+s6+$0x0], $0xffff  }
0xff: {  	v42 =	vadd.s32 $0x202, v23;
	[tilespmem:s14+$0x200] =	vst v7;
	v7 =	vld [tilespmem:$0x1FFE0]  }
0x100: {  	p1 =	slt.u32 s8, $0x4C;
	v34 =	vadd.s32 $0x282, v23;
	v25 =	vadd.s32 $0x382, v23;
	v1 =	vld.idx.msk [tilespmem:v1+s6+$0x0], $0xffff  }
.Ltmp5:
0x101: {  	v38 =	vadd.s32 $0x602, v23;
	v32 =	vadd.s32 $0x302, v27;
	v26 =	vadd.s32 $0x382, v27;
	v45 =	vld.idx.msk [tilespmem:v41+s6+$0x0], $0xffff;
	[tilespmem:s7+$0x280] =	vst v4;
	(pc) =	sbr.rel @p1 .LBB2_4-.Ltmp5, $4  }
0x102: {  	v18 =	vadd.s32 $0x482, v27;
	v3 =	vadd.s32 $0x602, v27;
	v31 =	vadd.s32 $0x302, v23;
	s9 =	sor.u32 s30, s10;
	s15 =	sor.u32 s28, s10;
	[tilespmem:s3+$0x200] =	vst v62;
	v41 =	vld.idx.msk [tilespmem:v63+s6+$0x0], $0xffff  }
0x103: {  	v21 =	vadd.s32 $0x402, v27;
	v20 =	vadd.s32 $0x402, v23;
	v36 =	vadd.s32 $0x282, v27;
	s10 =	sor.u32 s31, s10;
	s0 =	smov.u32 s4;
	s4 =	sor.u32 s28, s5;
	[tilespmem:s13+$0x200] =	vst v39;
	v39 =	vld.idx.msk [tilespmem:v40+s6+$0x0], $0xffff  }
0x104: {  	v35 =	vadd.s32 $0x682, v27;
	v27 =	vadd.s32 $0x702, v27;
	v30 =	vadd.s32 $0x682, v23;
	s28 =	smov.u32 s12;
	s29 =	smov.u32 s22;
	s21 =	sor.u32 s30, s5;
	v42 =	vld.idx.msk [tilespmem:v42+s6+$0x0], $0xffff  }
0x105: {  	v23 =	vadd.s32 $0x702, v23;
	v59 =	vmovc v18;
	v50 =	vmovc v9;
	v9 =	vmov v3;
	s11 =	sor.u32 s31, s5;
	s30 =	smov.u32 s23;
	s31 =	smov.u32 s18;
	v40 =	vadd.s32 $0x302, v0;
	v44 =	vld.idx.msk [tilespmem:v2+s6+$0x0], $0xffff;
	[tilespmem:s19+$0x0] =	vst v1  }
0x106: {  	_ =	sdelay $0x2  }
0x107: {  	[tilespmem:s14+$0x280] =	vst v45  }
0x108: {  	v1 =	vld.idx.msk [tilespmem:v36+s6+$0x0], $0xffff;
	_ =	sdelay $0x1  }
0x109: {  	[tilespmem:s7+$0x300] =	vst v41  }
0x10a: {  	[tilespmem:s3+$0x280] =	vst v39;
	v4 =	vld.idx.msk [tilespmem:v40+s6+$0x0], $0xffff  }
0x10b: {  	v18 =	vadd.s32 $0x382, v0;
	[tilespmem:s13+$0x280] =	vst v42;
	v3 =	vld.idx.msk [tilespmem:v33+s6+$0x0], $0xffff  }
0x10c: {  	v2 =	vld.idx.msk [tilespmem:v34+s6+$0x0], $0xffff;
	[tilespmem:s14+$0x300] =	vst v1  }
0x10d: {  	v32 =	vld.idx.msk [tilespmem:v32+s6+$0x0], $0xffff;
	_ =	sdelay $0x1  }
0x10e: {  	[tilespmem:s7+$0x380] =	vst v4  }
0x10f: {  	[tilespmem:s3+$0x300] =	vst v3;
	v1 =	vld.idx.msk [tilespmem:v18+s6+$0x0], $0xffff  }
0x110: {  	v33 =	vadd.s32 $0x402, v0;
	[tilespmem:s13+$0x300] =	vst v2;
	v3 =	vld.idx.msk [tilespmem:v29+s6+$0x0], $0xffff  }
0x111: {  	v5 =	vld.idx.msk [tilespmem:v31+s6+$0x0], $0xffff;
	[tilespmem:s14+$0x380] =	vst v32  }
0x112: {  	s2 =	sadd.s32 $0x4400, s0;
	v34 =	vld.idx.msk [tilespmem:v26+s6+$0x0], $0xffff  }
0x113: {  	s19 =	sor.u32 s29, s2  }
0x114: {  	[tilespmem:s19+$0x0] =	vst v1  }
0x115: {  	[tilespmem:s3+$0x380] =	vst v3;
	v1 =	vld.idx.msk [tilespmem:v33+s6+$0x0], $0xffff  }
0x116: {  	s22 =	sor.u32 s28, s2;
	v36 =	vadd.s32 $0x482, v0;
	[tilespmem:s13+$0x380] =	vst v5;
	v3 =	vld.idx.msk [tilespmem:v24+s6+$0x0], $0xffff  }
0x117: {  	v5 =	vld.idx.msk [tilespmem:v25+s6+$0x0], $0xffff;
	[tilespmem:s22+$0x0] =	vst v34  }
0x118: {  	s25 =	sadd.s32 $0x4480, s0;
	v4 =	vld.idx.msk [tilespmem:v21+s6+$0x0], $0xffff  }
0x119: {  	s5 =	sor.u32 s29, s25  }
0x11a: {  	s23 =	sor.u32 s30, s2;
	s2 =	sor.u32 s31, s2;
	[tilespmem:s5+$0x0] =	vst v1  }
0x11b: {  	[tilespmem:s2+$0x0] =	vst v3;
	v1 =	vld.idx.msk [tilespmem:v36+s6+$0x0], $0xffff  }
0x11c: {  	v39 =	vadd.s32 $0x502, v0;
	s7 =	sor.u32 s28, s25;
	[tilespmem:s23+$0x0] =	vst v5;
	v3 =	vld.idx.msk [tilespmem:v12+s6+$0x0], $0xffff  }
0x11d: {  	v5 =	vld.idx.msk [tilespmem:v20+s6+$0x0], $0xffff;
	[tilespmem:s7+$0x0] =	vst v4  }
0x11e: {  	s12 =	sadd.s32 $0x4500, s0;
	v4 =	vld.idx.msk [tilespmem:v59+s6+$0x0], $0xffff  }
0x11f: {  	s13 =	sor.u32 s29, s12  }
0x120: {  	s2 =	sor.u32 s31, s25;
	[tilespmem:s13+$0x0] =	vst v1  }
0x121: {  	s8 =	sor.u32 s30, s25;
	[tilespmem:s2+$0x0] =	vst v3;
	v1 =	vld.idx.msk [tilespmem:v39+s6+$0x0], $0xffff  }
0x122: {  	v42 =	vadd.s32 $0x582, v0;
	s14 =	sor.u32 s28, s12;
	[tilespmem:s8+$0x0] =	vst v5;
	v41 =	vld.idx.msk [tilespmem:v19+s6+$0x0], $0xffff  }
0x123: {  	v40 =	vld.idx.msk [tilespmem:v58+s6+$0x0], $0xffff;
	[tilespmem:s14+$0x0] =	vst v4  }
0x124: {  	[tilespmem:s17+$0x0] =	vst v43;
	s19 =	sadd.s32 $0x4580, s0;
	v45 =	vld.idx.msk [tilespmem:v16+s6+$0x0], $0xffff  }
0x125: {  	v6 =	vld.idx.msk [tilespmem:v6+s6+$0x0], $0xffff;
	[tilespmem:s15+$0x0] =	vst v44;
	s22 =	sor.u32 s29, s19  }
0x126: {  	v7 =	vld.idx.msk [tilespmem:v7+s6+$0x0], $0xffff;
	s2 =	sor.u32 s31, s12;
	[tilespmem:s22+$0x0] =	vst v1  }
0x127: {  	s18 =	sor.u32 s30, s12;
	[tilespmem:s2+$0x0] =	vst v41;
	v1 =	vld.idx.msk [tilespmem:v42+s6+$0x0], $0xffff  }
0x128: {  	v47 =	vadd.s32 $0x602, v0;
	s23 =	sor.u32 s28, s19;
	[tilespmem:s18+$0x0] =	vst v40;
	v5 =	vld.idx.msk [tilespmem:v15+s6+$0x0], $0xffff  }
0x129: {  	v46 =	vld.idx.msk [tilespmem:v55+s6+$0x0], $0xffff;
	[tilespmem:s23+$0x0] =	vst v45  }
0x12a: {  	[tilespmem:s9+$0x0] =	vst v6;
	s5 =	sadd.s32 $0x4600, s0;
	v3 =	vld.idx.msk [tilespmem:v10+s6+$0x0], $0xffff  }
0x12b: {  	v48 =	vld.idx.msk [tilespmem:v52+s6+$0x0], $0xffff;
	[tilespmem:s10+$0x0] =	vst v7;
	s7 =	sor.u32 s29, s5  }
0x12c: {  	v52 =	vld.idx.msk [tilespmem:v53+s6+$0x0], $0xffff;
	s2 =	sor.u32 s31, s19;
	[tilespmem:s7+$0x0] =	vst v1  }
0x12d: {  	s25 =	sor.u32 s30, s19;
	[tilespmem:s2+$0x0] =	vst v5;
	v1 =	vld.idx.msk [tilespmem:v47+s6+$0x0], $0xffff  }
0x12e: {  	v53 =	vadd.s32 $0x682, v0;
	s8 =	sor.u32 s28, s5;
	[tilespmem:s25+$0x0] =	vst v46;
	v5 =	vld.idx.msk [tilespmem:v11+s6+$0x0], $0xffff  }
0x12f: {  	v4 =	vld.idx.msk [tilespmem:v13+s6+$0x0], $0xffff;
	[tilespmem:s8+$0x0] =	vst v3  }
0x130: {  	s10 =	sadd.s32 $0x4680, s0;
	[tilespmem:s16+$0x0] =	vst v48;
	v3 =	vld.idx.msk [tilespmem:v9+s6+$0x0], $0xffff  }
0x131: {  	v54 =	vld.idx.msk [tilespmem:v8+s6+$0x0], $0xffff;
	[tilespmem:s1+$0x0] =	vst v52;
	s12 =	sor.u32 s29, s10  }
0x132: {  	v60 =	vld.idx.msk [tilespmem:v49+s6+$0x0], $0xffff;
	s2 =	sor.u32 s31, s5;
	[tilespmem:s12+$0x0] =	vst v1  }
0x133: {  	s9 =	sor.u32 s30, s5;
	[tilespmem:s2+$0x0] =	vst v5;
	v1 =	vld.idx.msk [tilespmem:v53+s6+$0x0], $0xffff  }
0x134: {  	v56 =	vadd.s32 $0x702, v0;
	s13 =	sor.u32 s28, s10;
	[tilespmem:s9+$0x0] =	vst v4;
	v5 =	vld.idx.msk [tilespmem:v37+s6+$0x0], $0xffff  }
0x135: {  	v4 =	vld.idx.msk [tilespmem:v38+s6+$0x0], $0xffff;
	[tilespmem:s13+$0x0] =	vst v3  }
0x136: {  	s16 =	sadd.s32 $0x4700, s0;
	[tilespmem:s20+$0x0] =	vst v54;
	v57 =	vld.idx.msk [tilespmem:v35+s6+$0x0], $0xffff  }
0x137: {  	s17 =	sor.u32 s29, s16;
	v6 =	vld.idx.msk [tilespmem:v50+s6+$0x0], $0xffff;
	[tilespmem:s21+$0x0] =	vst v60  }
0x138: {  	s15 =	sor.u32 s31, s10;
	v55 =	vld.idx.msk [tilespmem:v51+s6+$0x0], $0xffff;
	[tilespmem:s17+$0x0] =	vst v1  }
0x139: {  	s14 =	sor.u32 s30, s10;
	[tilespmem:s15+$0x0] =	vst v5;
	v0 =	vld.idx.msk [tilespmem:v56+s6+$0x0], $0xffff  }
0x13a: {  	s18 =	sor.u32 s28, s16;
	[tilespmem:s14+$0x0] =	vst v4;
	v59 =	vld.idx.msk [tilespmem:v28+s6+$0x0], $0xffff  }
0x13b: {  	v58 =	vld.idx.msk [tilespmem:v30+s6+$0x0], $0xffff;
	[tilespmem:s18+$0x0] =	vst v57  }
0x13c: {  	s20 =	sadd.s32 $0x4780, s0;
	[tilespmem:s11+$0x0] =	vst v6;
	v61 =	vld.idx.msk [tilespmem:v27+s6+$0x0], $0xffff  }
0x13d: {  	s21 =	sor.u32 s29, s20;
	[tilespmem:s4+$0x0] =	vst v55  }
0x13e: {  	s1 =	sor.u32 s31, s16;
	[tilespmem:s21+$0x0] =	vst v0  }
0x13f: {  	s19 =	sor.u32 s30, s16;
	[tilespmem:s1+$0x0] =	vst v59  }
0x140: {  	s22 =	sor.u32 s28, s20;
	[tilespmem:s19+$0x0] =	vst v58;
	v63 =	vld.idx.msk [tilespmem:v22+s6+$0x0], $0xffff  }
0x141: {  	v62 =	vld.idx.msk [tilespmem:v23+s6+$0x0], $0xffff;
	[tilespmem:s22+$0x0] =	vst v61  }
0x142: {  	s3 =	rddreg [dreg:$0x7]  }
0x143: {  	s0 =	sor.u32 s31, s20;
	s29 =	simm.s32 $0x2800;
	s4 =	rddreg [dreg:$0xc]  }
0x144: {  	s28 =	rddreg [dreg:$0x2];
	s25 =	smul.u32 $0x500, s26;
	s3 =	sadd.s32 s3, s4  }
0x145: {  	s23 =	sor.u32 s30, s20;
	s30 =	simm.s32 $0x186A000;
	[tilespmem:s0+$0x0] =	vst v63;
	p1 =	sgt.u32 s3, $0x9C3  }
0x146: {  	s31 =	simm.s32 $0x1C00;
	s0 =	sadd.s32 s28, s25;
	[tilespmem:s23+$0x0] =	vst v62;
	s1 =	smul.u32 @!p1 $0x140, s3  }
0x147: {  	[hbm4b:s0+s29] =	stream.strided.scatter [tilespmem:s31], [sflag:$0x3], $0x5000, s30, s29, $0x38;
	[tilespmem:$0xBC00] =	vst v63  }
0x148: {  	s2 =	simm.s32 @!p1 $0x800;
	s0 =	sadd.s32 @!p1 s24, s1;
	s1 =	simm.s32 @!p1 $0x0  }
0x149: {  	[tilespmem:s2], [sflag:$0x1] =	stream.linear.gather @!p1 [hbm4b:s0+s1], $0xA00, $0x38;
	[tilespmem:$0xBC00] =	vst v63  }
0x14a: {  	s1 =	rddreg [dreg:$0xb]  }
.LBB2_6:
0x14b: {  	s0 =	sor.u32 $0x20, s26  }
0x14c: {  	p1 =	sgt.u32 s0, $0x9C3  }
.Ltmp6:
0x14d: {  	_ = 	snop;
	(pc) =	sbr.rel @p1 .LBB2_10-.Ltmp6, $1  }
0x14e: {  	_ =	sdelay $0x3  }
0x14f: {  	[dreg:$0xd] =	wrdreg s0;
	s13 =	simm.s32 $0x2  }
0x150: {  	_ =	swait.ge [sflag:s13], $0xA00  }
0x151: {  	s0 =	simm.s32 @!p0 $0x4;
	[sflag:s13] =	ssyncset.done $0x0  }
0x152: {  	s1 =	simm.s32 $0x0;
	s2 =	simm.s32 $0x0;
	[sflag:s13] =	ssyncadd.s32 $0xFFFFF600  }
0x153: {  	s3 =	sand.u32 $0x40, s1;
	s14 =	sand.u32 $0xFFFFFF00, s2;
	_ =	swait.ge @!p0 [sflag:s0], $0x5000  }
0x154: {  	s2 =	sadd.s32 $0x1200, s14;
	s8 =	sor.u32 $0x30, s3;
	[sflag:s0] =	ssyncset.done @!p0 $0x0  }
0x155: {  	s15 =	sadd.s32 $0x1280, s14;
	s16 =	sor.u32 s8, s2;
	[sflag:s0] =	ssyncadd.s32 @!p0 $0xFFFFB000  }
0x156: {  	s17 =	sor.u32 s8, s15;
	v0 =	vld [tilespmem:s16+$0x0]  }
0x157: {  	v1 =	vld [tilespmem:s17+$0x0]  }
0x158: {  	s18 =	sor.u32 s3, s2  }
0x159: {  	s4 =	sor.u32 s3, s15;
	v2 =	vld [tilespmem:s18+$0x0]  }
0x15a: {  	v3 =	vld [tilespmem:s4+$0x0]  }
0x15b: {  	s14 =	sor.u32 $0x10, s3  }
0x15c: {  	s7 =	sor.u32 $0x20, s3;
	s19 =	sor.u32 s14, s2;
	v0 =	vsub.s32 v0, v1  }
0x15d: {  	s21 =	sor.u32 s7, s2;
	v4 =	vld [tilespmem:s19+$0x0];
	v1 =	vsub.s32 $0x0, v0  }
0x15e: {  	s0 =	sor.u32 s7, s15;
	v5 =	vld [tilespmem:s21+$0x0];
	v0 =	vmin.u32 v0, v1  }
0x15f: {  	s20 =	sor.u32 s14, s15;
	v2 =	vsub.s32 v2, v3;
	v3 =	vld [tilespmem:s0+$0x0];
	v0 =	vadd.s32 $0xFFFFFFFF, v0  }
0x160: {  	v1 =	vld [tilespmem:s20+$0x0];
	vm0 =	vgt.s32 v0, $0x0  }
0x161: {  	v6 =	vsub.s32 $0x0, v2;
	v0 =	vnsel vm0, $0x0, v0  }
0x162: {  	v2 =	vmin.u32 v2, v6;
	v0 =	vcvt.s32.f32 v0  }
0x163: {  	v6 =	vadd.s32 $0xFFFFFFFF, v2  }
0x164: {  	vm9 =	vgt.s32 v6, $0x0;
	v0 =	vshrl.u32 v0, $0x17  }
0x165: {  	v3 =	vsub.s32 v5, v3;
	v1 =	vsub.s32 v4, v1;
	v2 =	vmax.u32 v0, $0x7E  }
0x166: {  	v4 =	vsub.s32 $0x0, v1;
	v0 =	vnsel vm9, $0x0, v6;
	v5 =	vadd.s32 $0xFFFFFF82, v2  }
0x167: {  	v1 =	vmin.u32 v1, v4;
	v4 =	vsub.s32 $0x0, v3;
	v0 =	vcvt.s32.f32 v0  }
0x168: {  	v1 =	vadd.s32 $0xFFFFFFFF, v1;
	v3 =	vmin.u32 v3, v4  }
0x169: {  	vm10 =	vgt.s32 v1, $0x0;
	v3 =	vadd.s32 $0xFFFFFFFF, v3;
	v0 =	vshrl.u32 v0, $0x17  }
0x16a: {  	v4 =	vnsel vm10, $0x0, v1;
	vm11 =	vgt.s32 v3, $0x0;
	v1 =	vmax.u32 v0, $0x7E  }
0x16b: {  	v0 =	vcvt.s32.f32 v4;
	v3 =	vnsel vm11, $0x0, v3;
	v4 =	vld.idx.msk [tilespmem:v5+s6+$0x0], $0xffff;
	v5 =	vadd.s32 $0xFFFFFF82, v1  }
0x16c: {  	v3 =	vcvt.s32.f32 v3  }
0x16d: {  	s22 =	simm.s32 $0x0;
	v6 =	vadd.s32 $0x2, v2;
	v0 =	vshrl.u32 v0, $0x17  }
0x16e: {  	s11 =	sand.u32 $0x3FFFFC00, s22;
	v10 =	vmax.u32 v0, $0x7E;
	v0 =	vshrl.u32 v3, $0x17  }
0x16f: {  	s0 =	sadd.s32 $0x6C00, s11;
	v3 =	vadd.s32 $0xFFFFFF82, v10;
	v9 =	vmax.u32 v0, $0x7E  }
0x170: {  	s23 =	sor.u32 s8, s0;
	v0 =	vadd.s32 $0xFFFFFF82, v9;
	v5 =	vld.idx.msk [tilespmem:v5+s6+$0x0], $0xffff  }
0x171: {  	[tilespmem:s23+$0x0] =	vst v4;
	v4 =	vadd.s32 $0x2, v1  }
0x172: {  	v6 =	vld.idx.msk [tilespmem:v6+s6+$0x0], $0xffff  }
0x173: {  	v7 =	vadd.s32 $0x82, v2  }
0x174: {  	s24 =	sor.u32 s3, s0;
	v3 =	vld.idx.msk [tilespmem:v3+s6+$0x0], $0xffff  }
0x175: {  	s25 =	sadd.s32 $0x6C80, s11;
	v8 =	vadd.s32 $0x2, v10;
	v0 =	vld.idx.msk [tilespmem:v0+s6+$0x0], $0xffff;
	[tilespmem:s24+$0x0] =	vst v5  }
0x176: {  	s26 =	sor.u32 s8, s25;
	v5 =	vadd.s32 $0x2, v9;
	v4 =	vld.idx.msk [tilespmem:v4+s6+$0x0], $0xffff  }
0x177: {  	[tilespmem:s26+$0x0] =	vst v6;
	v6 =	vadd.s32 $0x82, v1  }
0x178: {  	s4 =	sor.u32 s14, s0;
	v7 =	vld.idx.msk [tilespmem:v7+s6+$0x0], $0xffff  }
0x179: {  	s0 =	sor.u32 s7, s0;
	v11 =	vadd.s32 $0x102, v2;
	[tilespmem:s4+$0x0] =	vst v3  }
0x17a: {  	s5 =	sor.u32 s3, s25;
	v3 =	vld.idx.msk [tilespmem:v8+s6+$0x0], $0xffff;
	[tilespmem:s0+$0x0] =	vst v0  }
0x17b: {  	s9 =	sadd.s32 $0x6D00, s11;
	v0 =	vadd.s32 $0x82, v10;
	v5 =	vld.idx.msk [tilespmem:v5+s6+$0x0], $0xffff;
	[tilespmem:s5+$0x0] =	vst v4  }
0x17c: {  	s10 =	sor.u32 s8, s9;
	v4 =	vadd.s32 $0x82, v9;
	v6 =	vld.idx.msk [tilespmem:v6+s6+$0x0], $0xffff  }
0x17d: {  	[tilespmem:s10+$0x0] =	vst v7;
	v7 =	vadd.s32 $0x102, v1  }
0x17e: {  	s12 =	sor.u32 s14, s25;
	v8 =	vld.idx.msk [tilespmem:v11+s6+$0x0], $0xffff  }
0x17f: {  	s2 =	sor.u32 s7, s25;
	v11 =	vadd.s32 $0x182, v2;
	[tilespmem:s12+$0x0] =	vst v3  }
0x180: {  	s13 =	sor.u32 s3, s9;
	v0 =	vld.idx.msk [tilespmem:v0+s6+$0x0], $0xffff;
	[tilespmem:s2+$0x0] =	vst v5  }
0x181: {  	s15 =	sadd.s32 $0x6D80, s11;
	v3 =	vadd.s32 $0x102, v10;
	v4 =	vld.idx.msk [tilespmem:v4+s6+$0x0], $0xffff;
	[tilespmem:s13+$0x0] =	vst v6  }
0x182: {  	s16 =	sor.u32 s8, s15;
	v5 =	vadd.s32 $0x102, v9;
	v6 =	vld.idx.msk [tilespmem:v7+s6+$0x0], $0xffff  }
0x183: {  	[tilespmem:s16+$0x0] =	vst v8;
	v7 =	vadd.s32 $0x182, v1  }
0x184: {  	s17 =	sor.u32 s14, s9;
	v8 =	vld.idx.msk [tilespmem:v11+s6+$0x0], $0xffff  }
0x185: {  	s0 =	sor.u32 s7, s9;
	v11 =	vadd.s32 $0x202, v2;
	[tilespmem:s17+$0x0] =	vst v0  }
0x186: {  	s18 =	sor.u32 s3, s15;
	v0 =	vld.idx.msk [tilespmem:v3+s6+$0x0], $0xffff;
	[tilespmem:s0+$0x0] =	vst v4  }
0x187: {  	s19 =	sadd.s32 $0x6E00, s11;
	v3 =	vadd.s32 $0x182, v10;
	v4 =	vld.idx.msk [tilespmem:v5+s6+$0x0], $0xffff;
	[tilespmem:s18+$0x0] =	vst v6  }
0x188: {  	s20 =	sor.u32 s8, s19;
	v5 =	vadd.s32 $0x182, v9;
	v6 =	vld.idx.msk [tilespmem:v7+s6+$0x0], $0xffff  }
0x189: {  	[tilespmem:s20+$0x0] =	vst v8;
	v7 =	vadd.s32 $0x202, v1  }
0x18a: {  	s21 =	sor.u32 s14, s15;
	v8 =	vld.idx.msk [tilespmem:v11+s6+$0x0], $0xffff  }
0x18b: {  	s2 =	sor.u32 s7, s15;
	v11 =	vadd.s32 $0x282, v2;
	[tilespmem:s21+$0x0] =	vst v0  }
0x18c: {  	s22 =	sor.u32 s3, s19;
	v0 =	vld.idx.msk [tilespmem:v3+s6+$0x0], $0xffff;
	[tilespmem:s2+$0x0] =	vst v4  }
0x18d: {  	s23 =	sadd.s32 $0x6E80, s11;
	v3 =	vadd.s32 $0x202, v10;
	v4 =	vld.idx.msk [tilespmem:v5+s6+$0x0], $0xffff;
	[tilespmem:s22+$0x0] =	vst v6  }
0x18e: {  	s24 =	sor.u32 s8, s23;
	v5 =	vadd.s32 $0x202, v9;
	v6 =	vld.idx.msk [tilespmem:v7+s6+$0x0], $0xffff  }
0x18f: {  	[tilespmem:s24+$0x0] =	vst v8;
	v7 =	vadd.s32 $0x282, v1  }
0x190: {  	s25 =	sor.u32 s14, s19;
	v8 =	vld.idx.msk [tilespmem:v11+s6+$0x0], $0xffff  }
0x191: {  	s10 =	simm.s32 $0x80;
	s0 =	sor.u32 s7, s19;
	v11 =	vadd.s32 $0x302, v2;
	[tilespmem:s25+$0x0] =	vst v0  }
0x192: {  	s5 =	sor.u32 s3, s23;
	s1 =	sand.u32 $0xFFFFFF00, s10;
	v0 =	vld.idx.msk [tilespmem:v3+s6+$0x0], $0xffff;
	[tilespmem:s0+$0x0] =	vst v4;
	s0 =	simm.s32 $0x40  }
0x193: {  	s26 =	sadd.s32 $0x6F00, s11;
	s13 =	sadd.s32 $0x1200, s1;
	v3 =	vld.idx.msk [tilespmem:v5+s6+$0x0], $0xffff;
	s28 =	sand.u32 $0x40, s0;
	[tilespmem:s5+$0x0] =	vst v6  }
0x194: {  	s12 =	sor.u32 s8, s26;
	s10 =	sor.u32 s28, s13;
	v4 =	vld.idx.msk [tilespmem:v7+s6+$0x0], $0xffff  }
0x195: {  	s29 =	sor.u32 $0x30, s28;
	[tilespmem:s12+$0x0] =	vst v8;
	v12 =	vld [tilespmem:s10+$0x0]  }
0x196: {  	s9 =	sadd.s32 $0x1280, s1;
	s15 =	sor.u32 s29, s13;
	v6 =	vld.idx.msk [tilespmem:v11+s6+$0x0], $0xffff  }
0x197: {  	v5 =	vadd.s32 $0x282, v10;
	s16 =	sor.u32 s29, s9;
	v7 =	vld [tilespmem:s15+$0x0]  }
0x198: {  	s17 =	sor.u32 s14, s23;
	s30 =	sor.u32 $0x10, s28;
	s12 =	sor.u32 s28, s9;
	v11 =	vld [tilespmem:s16+$0x0]  }
0x199: {  	s31 =	sor.u32 $0x20, s28;
	s19 =	sor.u32 s30, s13;
	[tilespmem:s17+$0x0] =	vst v0;
	v0 =	vld [tilespmem:s12+$0x0]  }
0x19a: {  	v8 =	vadd.s32 $0x382, v2;
	s5 =	sor.u32 s31, s13;
	v14 =	vld [tilespmem:s19+$0x0]  }
0x19b: {  	v13 =	vadd.s32 $0x282, v9;
	s4 =	sor.u32 s7, s23;
	s18 =	sadd.s32 $0x6F80, s11;
	v18 =	vld [tilespmem:s5+$0x0]  }
0x19c: {  	s20 =	sor.u32 s8, s18;
	s21 =	sor.u32 s30, s9;
	s9 =	sor.u32 s31, s9;
	v5 =	vld.idx.msk [tilespmem:v5+s6+$0x0], $0xffff;
	[tilespmem:s4+$0x0] =	vst v3  }
0x19d: {  	v19 =	vadd.s32 $0x402, v2;
	v3 =	vld [tilespmem:s9+$0x0];
	[tilespmem:s20+$0x0] =	vst v6;
	v6 =	vadd.s32 $0x302, v1;
	v7 =	vsub.s32 v7, v11  }
0x19e: {  	v15 =	vadd.s32 $0x382, v1;
	v16 =	vld [tilespmem:s21+$0x0];
	v11 =	vadd.s32 $0x302, v10;
	v17 =	vsub.s32 $0x0, v7  }
0x19f: {  	v20 =	vadd.s32 $0x302, v9;
	s22 =	sor.u32 s3, s26;
	v0 =	vsub.s32 v12, v0;
	v8 =	vld.idx.msk [tilespmem:v8+s6+$0x0], $0xffff;
	v7 =	vmin.u32 v7, v17  }
0x1a0: {  	[tilespmem:s22+$0x0] =	vst v4;
	v4 =	vld.idx.msk [tilespmem:v13+s6+$0x0], $0xffff;
	v13 =	vadd.s32 $0x402, v1;
	v17 =	vsub.s32 $0x0, v0;
	v7 =	vadd.s32 $0xFFFFFFFF, v7  }
0x1a1: {  	s23 =	sor.u32 s14, s26;
	v12 =	vadd.s32 $0x382, v10;
	v0 =	vmin.u32 v0, v17;
	vm12 =	vgt.s32 v7, $0x0  }
0x1a2: {  	s24 =	sadd.s32 $0x9400, s11;
	[tilespmem:s23+$0x0] =	vst v5;
	v3 =	vsub.s32 v18, v3;
	v0 =	vadd.s32 $0xFFFFFFFF, v0;
	v5 =	vld.idx.msk [tilespmem:v6+s6+$0x0], $0xffff;
	v6 =	vnsel vm12, $0x0, v7  }
0x1a3: {  	s25 =	sor.u32 s8, s24;
	v7 =	vsub.s32 v14, v16;
	v11 =	vld.idx.msk [tilespmem:v11+s6+$0x0], $0xffff;
	vm13 =	vgt.s32 v0, $0x0;
	v6 =	vcvt.s32.f32 v6  }
0x1a4: {  	[tilespmem:s25+$0x0] =	vst v8;
	v8 =	vadd.s32 $0x382, v9;
	v14 =	vsub.s32 $0x0, v7;
	v17 =	vnsel vm13, $0x0, v0  }
0x1a5: {  	s2 =	sor.u32 s7, s26;
	v16 =	vld.idx.msk [tilespmem:v19+s6+$0x0], $0xffff;
	v7 =	vmin.u32 v7, v14;
	v14 =	vsub.s32 $0x0, v3;
	v0 =	vshrl.u32 v6, $0x17  }
0x1a6: {  	s26 =	sor.u32 s3, s18;
	[tilespmem:s2+$0x0] =	vst v4;
	v6 =	vadd.s32 $0x482, v2;
	v4 =	vadd.s32 $0xFFFFFFFF, v7;
	v0 =	vmax.u32 v0, $0x7E  }
0x1a7: {  	s9 =	sor.u32 s14, s18;
	v3 =	vmin.u32 v3, v14;
	v14 =	vcvt.s32.f32 v17;
	v7 =	vadd.s32 $0xFFFFFF82, v0;
	[tilespmem:s26+$0x0] =	vst v5;
	v5 =	vld.idx.msk [tilespmem:v20+s6+$0x0], $0xffff  }
0x1a8: {  	s10 =	sadd.s32 $0x9480, s11;
	vm14 =	vgt.s32 v4, $0x0;
	v3 =	vadd.s32 $0xFFFFFFFF, v3;
	[tilespmem:s9+$0x0] =	vst v11;
	v11 =	vadd.s32 $0x402, v10;
	v15 =	vld.idx.msk [tilespmem:v15+s6+$0x0], $0xffff  }
0x1a9: {  	s12 =	sor.u32 s8, s10;
	v4 =	vnsel vm14, $0x0, v4;
	vm15 =	vgt.s32 v3, $0x0;
	v14 =	vshrl.u32 v14, $0x17;
	v12 =	vld.idx.msk [tilespmem:v12+s6+$0x0], $0xffff  }
0x1aa: {  	v4 =	vcvt.s32.f32 v4;
	v3 =	vnsel vm15, $0x0, v3;
	v22 =	vmax.u32 v14, $0x7E;
	[tilespmem:s12+$0x0] =	vst v16  }
0x1ab: {  	s1 =	sor.u32 s7, s18;
	v3 =	vcvt.s32.f32 v3;
	v16 =	vadd.s32 $0xFFFFFF82, v22;
	v6 =	vld.idx.msk [tilespmem:v6+s6+$0x0], $0xffff  }
0x1ac: {  	s13 =	sor.u32 s3, s24;
	v14 =	vadd.s32 $0x502, v2;
	v4 =	vshrl.u32 v4, $0x17;
	v7 =	vld.idx.msk [tilespmem:v7+s6+$0x0], $0xffff;
	[tilespmem:s1+$0x0] =	vst v5  }
0x1ad: {  	s15 =	simm.s32 $0x200;
	s16 =	sor.u32 s14, s24;
	v24 =	vmax.u32 v4, $0x7E;
	v3 =	vshrl.u32 v3, $0x17;
	v4 =	vadd.s32 $0x2, v0;
	[tilespmem:s13+$0x0] =	vst v15;
	v5 =	vld.idx.msk [tilespmem:v8+s6+$0x0], $0xffff  }
0x1ae: {  	s2 =	sand.u32 $0x3FFFFC00, s15;
	s9 =	sadd.s32 $0x9500, s11;
	v39 =	vmax.u32 v3, $0x7E;
	v8 =	vadd.s32 $0xFFFFFF82, v24;
	[tilespmem:s16+$0x0] =	vst v12;
	v3 =	vld.idx.msk [tilespmem:v13+s6+$0x0], $0xffff  }
0x1af: {  	s18 =	sadd.s32 $0x6C00, s2;
	s17 =	sor.u32 s8, s9;
	v12 =	vadd.s32 $0xFFFFFF82, v39;
	v11 =	vld.idx.msk [tilespmem:v11+s6+$0x0], $0xffff  }
0x1b0: {  	s19 =	sor.u32 s29, s18;
	v15 =	vld.idx.msk [tilespmem:v16+s6+$0x0], $0xffff;
	[tilespmem:s17+$0x0] =	vst v6;
	v6 =	vadd.s32 $0x402, v9  }
0x1b1: {  	s20 =	sor.u32 s7, s24;
	v16 =	vadd.s32 $0x2, v22;
	v13 =	vld.idx.msk [tilespmem:v14+s6+$0x0], $0xffff;
	[tilespmem:s19+$0x0] =	vst v7  }
0x1b2: {  	s21 =	sor.u32 s3, s10;
	v14 =	vadd.s32 $0x482, v1;
	v4 =	vld.idx.msk [tilespmem:v4+s6+$0x0], $0xffff;
	[tilespmem:s20+$0x0] =	vst v5  }
0x1b3: {  	s22 =	sor.u32 s14, s10;
	v7 =	vadd.s32 $0x582, v2;
	v8 =	vld.idx.msk [tilespmem:v8+s6+$0x0], $0xffff;
	[tilespmem:s21+$0x0] =	vst v3  }
0x1b4: {  	s24 =	sor.u32 s28, s18;
	s1 =	sadd.s32 $0x9580, s11;
	v5 =	vld.idx.msk [tilespmem:v12+s6+$0x0], $0xffff;
	v12 =	vadd.s32 $0x82, v0;
	[tilespmem:s22+$0x0] =	vst v11  }
0x1b5: {  	s23 =	sor.u32 s8, s1;
	s13 =	sadd.s32 $0x6C80, s2;
	v3 =	vadd.s32 $0x2, v24;
	[tilespmem:s24+$0x0] =	vst v15;
	v6 =	vld.idx.msk [tilespmem:v6+s6+$0x0], $0xffff  }
0x1b6: {  	s25 =	sor.u32 s29, s13;
	v11 =	vadd.s32 $0x2, v39;
	v16 =	vld.idx.msk [tilespmem:v16+s6+$0x0], $0xffff;
	[tilespmem:s23+$0x0] =	vst v13  }
0x1b7: {  	s26 =	sor.u32 s30, s18;
	v14 =	vld.idx.msk [tilespmem:v14+s6+$0x0], $0xffff;
	v13 =	vadd.s32 $0x482, v10;
	[tilespmem:s25+$0x0] =	vst v4  }
0x1b8: {  	s5 =	sor.u32 s31, s18;
	v15 =	vadd.s32 $0x482, v9;
	v7 =	vld.idx.msk [tilespmem:v7+s6+$0x0], $0xffff;
	[tilespmem:s26+$0x0] =	vst v8  }
0x1b9: {  	s12 =	sor.u32 s7, s10;
	v8 =	vadd.s32 $0x602, v2;
	[tilespmem:s5+$0x0] =	vst v5;
	v4 =	vld.idx.msk [tilespmem:v12+s6+$0x0], $0xffff  }
0x1ba: {  	s17 =	sor.u32 s28, s13;
	v12 =	vadd.s32 $0x82, v22;
	v3 =	vld.idx.msk [tilespmem:v3+s6+$0x0], $0xffff;
	[tilespmem:s12+$0x0] =	vst v6  }
0x1bb: {  	s4 =	sadd.s32 $0x9600, s11;
	s15 =	sor.u32 s3, s9;
	v5 =	vld.idx.msk [tilespmem:v11+s6+$0x0], $0xffff;
	v11 =	vadd.s32 $0x102, v0;
	[tilespmem:s17+$0x0] =	vst v16  }
0x1bc: {  	s18 =	sadd.s32 $0x6D00, s2;
	s16 =	sor.u32 s8, s4;
	v6 =	vadd.s32 $0x82, v24;
	[tilespmem:s15+$0x0] =	vst v14;
	v13 =	vld.idx.msk [tilespmem:v13+s6+$0x0], $0xffff  }
0x1bd: {  	s19 =	sor.u32 s29, s18;
	v14 =	vadd.s32 $0x82, v39;
	v15 =	vld.idx.msk [tilespmem:v15+s6+$0x0], $0xffff;
	[tilespmem:s16+$0x0] =	vst v7  }
0x1be: {  	s20 =	sor.u32 s30, s13;
	v7 =	vadd.s32 $0x502, v1;
	v8 =	vld.idx.msk [tilespmem:v8+s6+$0x0], $0xffff;
	[tilespmem:s19+$0x0] =	vst v4  }
0x1bf: {  	s21 =	sor.u32 s31, s13;
	v16 =	vadd.s32 $0x502, v10;
	v12 =	vld.idx.msk [tilespmem:v12+s6+$0x0], $0xffff;
	[tilespmem:s20+$0x0] =	vst v3  }
0x1c0: {  	s22 =	sor.u32 s14, s9;
	v4 =	vadd.s32 $0x682, v2;
	[tilespmem:s21+$0x0] =	vst v5;
	v3 =	vld.idx.msk [tilespmem:v11+s6+$0x0], $0xffff  }
0x1c1: {  	s10 =	sadd.s32 $0x9680, s11;
	s23 =	sor.u32 s7, s9;
	v11 =	vadd.s32 $0x102, v22;
	v6 =	vld.idx.msk [tilespmem:v6+s6+$0x0], $0xffff;
	[tilespmem:s22+$0x0] =	vst v13  }
0x1c2: {  	s24 =	sor.u32 s8, s10;
	v5 =	vld.idx.msk [tilespmem:v14+s6+$0x0], $0xffff;
	v14 =	vadd.s32 $0x182, v0;
	[tilespmem:s23+$0x0] =	vst v15  }
0x1c3: {  	s25 =	sor.u32 s28, s18;
	s26 =	sadd.s32 $0x6D80, s2;
	v13 =	vadd.s32 $0x102, v24;
	v17 =	vld.idx.msk [tilespmem:v7+s6+$0x0], $0xffff;
	[tilespmem:s24+$0x0] =	vst v8  }
0x1c4: {  	s16 =	sor.u32 s29, s26;
	v15 =	vadd.s32 $0x102, v39;
	v16 =	vld.idx.msk [tilespmem:v16+s6+$0x0], $0xffff;
	[tilespmem:s25+$0x0] =	vst v12  }
0x1c5: {  	v18 =	vadd.s32 $0x502, v9;
	s17 =	sor.u32 s30, s18;
	v12 =	vld.idx.msk [tilespmem:v4+s6+$0x0], $0xffff;
	[tilespmem:s16+$0x0] =	vst v3  }
0x1c6: {  	v19 =	vadd.s32 $0x582, v1;
	s18 =	sor.u32 s31, s18;
	v11 =	vld.idx.msk [tilespmem:v11+s6+$0x0], $0xffff;
	[tilespmem:s17+$0x0] =	vst v6  }
0x1c7: {  	v27 =	vadd.s32 $0x602, v1;
	v52 =	vadd.s32 $0x682, v1;
	v29 =	vadd.s32 $0x582, v10;
	s19 =	sor.u32 s3, s1;
	v14 =	vld.idx.msk [tilespmem:v14+s6+$0x0], $0xffff;
	[tilespmem:s18+$0x0] =	vst v5  }
0x1c8: {  	v51 =	vadd.s32 $0x702, v1;
	v53 =	vadd.s32 $0x682, v10;
	v20 =	vadd.s32 $0x702, v2;
	s20 =	sor.u32 s14, s1;
	s21 =	sadd.s32 $0x9700, s11;
	v13 =	vld.idx.msk [tilespmem:v13+s6+$0x0], $0xffff;
	[tilespmem:s19+$0x0] =	vst v17  }
0x1c9: {  	v49 =	vadd.s32 $0x702, v10;
	v30 =	vadd.s32 $0x582, v9;
	v21 =	vadd.s32 $0x182, v22;
	s22 =	sor.u32 s8, s21;
	v15 =	vld.idx.msk [tilespmem:v15+s6+$0x0], $0xffff;
	[tilespmem:s20+$0x0] =	vst v16  }
0x1ca: {  	v50 =	vadd.s32 $0x702, v9;
	v23 =	vadd.s32 $0x202, v0;
	v42 =	vadd.s32 $0x282, v0;
	s15 =	sadd.s32 $0x6E00, s2;
	s23 =	sor.u32 s28, s26;
	v16 =	vld.idx.msk [tilespmem:v18+s6+$0x0], $0xffff;
	[tilespmem:s22+$0x0] =	vst v12  }
0x1cb: {  	v36 =	vadd.s32 $0x202, v22;
	v35 =	vadd.s32 $0x282, v22;
	s24 =	sor.u32 s29, s15;
	v17 =	vadd.s32 $0x182, v24;
	v18 =	vld.idx.msk [tilespmem:v19+s6+$0x0], $0xffff;
	[tilespmem:s23+$0x0] =	vst v11  }
0x1cc: {  	v32 =	vadd.s32 $0x302, v22;
	s25 =	sor.u32 s30, s26;
	v6 =	vadd.s32 $0x602, v10;
	v10 =	vadd.s32 $0x182, v39;
	v48 =	vld.idx.msk [tilespmem:v29+s6+$0x0], $0xffff;
	[tilespmem:s24+$0x0] =	vst v14  }
0x1cd: {  	v26 =	vadd.s32 $0x382, v22;
	v7 =	vadd.s32 $0x602, v9;
	v8 =	vadd.s32 $0x682, v9;
	s26 =	sor.u32 s31, s26;
	v9 =	vld.idx.msk [tilespmem:v20+s6+$0x0], $0xffff;
	[tilespmem:s25+$0x0] =	vst v13  }
0x1ce: {  	v59 =	vadd.s32 $0x482, v22;
	v40 =	vadd.s32 $0x202, v24;
	v34 =	vadd.s32 $0x282, v24;
	s1 =	sor.u32 s7, s1;
	v11 =	vld.idx.msk [tilespmem:v21+s6+$0x0], $0xffff;
	[tilespmem:s26+$0x0] =	vst v15  }
0x1cf: {  	v31 =	vadd.s32 $0x302, v24;
	v25 =	vadd.s32 $0x382, v24;
	v58 =	vadd.s32 $0x482, v24;
	s9 =	sor.u32 s3, s4;
	v37 =	vld.idx.msk [tilespmem:v23+s6+$0x0], $0xffff;
	[tilespmem:s1+$0x0] =	vst v16  }
0x1d0: {  	v56 =	vadd.s32 $0x502, v24;
	v38 =	vadd.s32 $0x602, v24;
	v46 =	vadd.s32 $0x202, v39;
	s11 =	sadd.s32 $0x9780, s11;
	s16 =	sor.u32 s14, s4;
	v41 =	vld.idx.msk [tilespmem:v17+s6+$0x0], $0xffff;
	[tilespmem:s9+$0x0] =	vst v18  }
0x1d1: {  	v33 =	vadd.s32 $0x282, v39;
	v28 =	vadd.s32 $0x302, v39;
	s13 =	simm.s32 $0x4;
	s17 =	sor.u32 s8, s11;
	v19 =	vadd.s32 $0x482, v39;
	v47 =	vld.idx.msk [tilespmem:v10+s6+$0x0], $0xffff;
	[tilespmem:s16+$0x0] =	vst v48  }
0x1d2: {  	s8 =	sor.u32 s14, s11;
	s18 =	sor.u32 s28, s15;
	s19 =	sadd.s32 $0x6E80, s2;
	v29 =	vadd.s32 $0x682, v39;
	v12 =	vadd.s32 $0x402, v24;
	v21 =	vadd.s32 $0x402, v22;
	v43 =	vld.idx.msk [tilespmem:v30+s6+$0x0], $0xffff;
	[tilespmem:s17+$0x0] =	vst v9  }
0x1d3: {  	s20 =	sor.u32 s3, s21;
	s22 =	sor.u32 s14, s21;
	s24 =	sor.u32 s29, s19;
	v13 =	vadd.s32 $0x582, v24;
	v23 =	vadd.s32 $0x382, v39;
	v15 =	vadd.s32 $0x502, v22;
	v44 =	vld.idx.msk [tilespmem:v27+s6+$0x0], $0xffff;
	[tilespmem:s18+$0x0] =	vst v11  }
0x1d4: {  	s21 =	sor.u32 s7, s21;
	s23 =	sor.u32 s7, s4;
	s25 =	sor.u32 s30, s15;
	v16 =	vadd.s32 $0x502, v39;
	v18 =	vadd.s32 $0x402, v39;
	v10 =	vadd.s32 $0x582, v22;
	[tilespmem:s24+$0x0] =	vst v37;
	v45 =	vld.idx.msk [tilespmem:v36+s6+$0x0], $0xffff  }
0x1d5: {  	s4 =	sor.u32 s7, s10;
	s1 =	sor.u32 s14, s10;
	s26 =	sor.u32 s31, s15;
	v30 =	vadd.s32 $0x682, v24;
	v24 =	vadd.s32 $0x702, v24;
	v27 =	vadd.s32 $0x702, v22;
	[tilespmem:s25+$0x0] =	vst v41;
	v42 =	vld.idx.msk [tilespmem:v42+s6+$0x0], $0xffff  }
0x1d6: {  	s14 =	sor.u32 s28, s19;
	s9 =	sor.u32 s3, s10;
	s16 =	sor.u32 s31, s19;
	v9 =	vadd.s32 $0x602, v22;
	v11 =	vadd.s32 $0x582, v39;
	v37 =	vadd.s32 $0x602, v39;
	[tilespmem:s26+$0x0] =	vst v47;
	v41 =	vld.idx.msk [tilespmem:v40+s6+$0x0], $0xffff  }
0x1d7: {  	s17 =	sor.u32 s30, s19;
	s18 =	sor.u32 s3, s11;
	s3 =	sor.u32 s7, s11;
	v36 =	vadd.s32 $0x682, v22;
	v22 =	vadd.s32 $0x702, v39;
	v40 =	vadd.s32 $0x302, v0;
	v39 =	vld.idx.msk [tilespmem:v46+s6+$0x0], $0xffff  }
.LBB2_8:
0x1d8: {  	_ = 	snop  }
0x1d9: {  	s5 =	sadd.s32 $0x6F00, s2;
	[tilespmem:s23+$0x0] =	vst v43  }
0x1da: {  	s23 =	sor.u32 s29, s5;
	[tilespmem:s9+$0x0] =	vst v44  }
0x1db: {  	s13 =	sadd.s32 $0x4, s13;
	v46 =	vld.idx.msk [tilespmem:v6+s6+$0x0], $0xffff;
	[tilespmem:s23+$0x0] =	vst v42  }
0x1dc: {  	s10 =	sshll.u32 s13, $0x7;
	v63 =	vld.idx.msk [tilespmem:v7+s6+$0x0], $0xffff;
	[tilespmem:s17+$0x0] =	vst v41  }
0x1dd: {  	s7 =	sshra.s32 s10, $0x2;
	[tilespmem:s14+$0x0] =	vst v45;
	v45 =	vld.idx.msk [tilespmem:v40+s6+$0x0], $0xffff  }
0x1de: {  	s0 =	sadd.s32 $0x40, s0;
	s12 =	sand.u32 $0xFFFFFF00, s7;
	v34 =	vld.idx.msk [tilespmem:v34+s6+$0x0], $0xffff  }
0x1df: {  	s9 =	sadd.s32 $0x1200, s12;
	s14 =	sand.u32 $0x40, s0;
	v44 =	vld.idx.msk [tilespmem:v52+s6+$0x0], $0xffff  }
0x1e0: {  	[tilespmem:s16+$0x0] =	vst v39;
	v35 =	vld.idx.msk [tilespmem:v35+s6+$0x0], $0xffff;
	s11 =	sor.u32 $0x30, s14;
	s16 =	sor.u32 s14, s9  }
0x1e1: {  	s17 =	sadd.s32 $0x1280, s12;
	s19 =	sor.u32 s11, s9;
	v54 =	vld [tilespmem:s16+$0x0]  }
0x1e2: {  	v48 =	vadd.s32 $0x382, v0;
	s7 =	sor.u32 $0x10, s14;
	s24 =	sor.u32 s11, s17;
	v47 =	vld [tilespmem:s19+$0x0]  }
0x1e3: {  	s12 =	sor.u32 $0x20, s14;
	s26 =	sor.u32 s7, s9;
	v52 =	vld [tilespmem:s24+$0x0];
	[tilespmem:s1+$0x0] =	vst v46  }
0x1e4: {  	s23 =	sor.u32 s14, s17;
	s9 =	sor.u32 s12, s9;
	s19 =	sadd.s32 $0x6F80, s2;
	[tilespmem:s4+$0x0] =	vst v63;
	v55 =	vld [tilespmem:s26+$0x0]  }
0x1e5: {  	[tilespmem:$0x1FF30] =	vst v13;
	s25 =	sor.u32 s7, s17;
	s17 =	sor.u32 s12, s17;
	s24 =	sor.u32 s29, s19;
	v61 =	vld [tilespmem:s9+$0x0]  }
0x1e6: {  	v1 =	vmov v38;
	s16 =	sor.u32 s30, s5;
	[tilespmem:s24+$0x0] =	vst v45;
	v63 =	vld [tilespmem:s17+$0x0]  }
0x1e7: {  	[tilespmem:s16+$0x0] =	vst v34;
	v57 =	vld.idx.msk [tilespmem:v48+s6+$0x0], $0xffff  }
0x1e8: {  	[tilespmem:s20+$0x0] =	vst v44;
	v60 =	vld [tilespmem:s25+$0x0]  }
0x1e9: {  	v62 =	vadd.s32 $0x402, v0;
	[tilespmem:$0x1FF40] =	vst v1;
	v1 =	vmov v37;
	v37 =	vld [tilespmem:s23+$0x0]  }
0x1ea: {  	[tilespmem:$0x1FF50] =	vst v11;
	s15 =	sor.u32 s28, s5;
	s4 =	sor.u32 s31, s19;
	v33 =	vld.idx.msk [tilespmem:v33+s6+$0x0], $0xffff;
	v39 =	vsub.s32 v47, v52  }
0x1eb: {  	s26 =	sor.u32 s30, s19;
	v31 =	vld.idx.msk [tilespmem:v31+s6+$0x0], $0xffff;
	[tilespmem:s15+$0x0] =	vst v35;
	s23 =	sor.u32 s28, s19;
	s19 =	sadd.s32 $0x9400, s2;
	v41 =	vsub.s32 $0x0, v39  }
0x1ec: {  	[tilespmem:$0x1FF80] =	vst v1;
	v1 =	vmov v36;
	v32 =	vld.idx.msk [tilespmem:v32+s6+$0x0], $0xffff;
	s20 =	sor.u32 s29, s19;
	v39 =	vmin.u32 v39, v41  }
0x1ed: {  	v11 =	vmovc v30;
	v52 =	vld.idx.msk [tilespmem:v53+s6+$0x0], $0xffff;
	v53 =	vadd.s32 $0x482, v0;
	v48 =	vsub.s32 v61, v63;
	v39 =	vadd.s32 $0xFFFFFFFF, v39;
	[tilespmem:s20+$0x0] =	vst v57  }
0x1ee: {  	[tilespmem:$0x1FF20] =	vst v1;
	s5 =	sor.u32 s31, s5;
	v35 =	vsub.s32 v55, v60;
	v30 =	vsub.s32 $0x0, v48;
	v37 =	vsub.s32 v54, v37;
	v47 =	vld.idx.msk [tilespmem:v62+s6+$0x0], $0xffff  }
0x1ef: {  	v13 =	vmovc v10;
	v1 =	vmovc v29;
	vm0 =	vgt.s32 v39, $0x0;
	v46 =	vsub.s32 $0x0, v35;
	v54 =	vld.idx.msk [tilespmem:v8+s6+$0x0], $0xffff;
	[tilespmem:s5+$0x0] =	vst v33;
	v44 =	vsub.s32 $0x0, v37  }
0x1f0: {  	[tilespmem:$0x1FF70] =	vst v1;
	v30 =	vmin.u32 v48, v30;
	v45 =	vnsel vm0, $0x0, v39;
	v28 =	vld.idx.msk [tilespmem:v28+s6+$0x0], $0xffff;
	v37 =	vmin.u32 v37, v44  }
0x1f1: {  	v10 =	vmovc v27;
	v55 =	vld.idx.msk [tilespmem:v51+s6+$0x0], $0xffff;
	v34 =	vmin.u32 v35, v46;
	v27 =	vadd.s32 $0xFFFFFFFF, v30;
	[tilespmem:s23+$0x0] =	vst v32;
	s23 =	sadd.s32 $0x9480, s2;
	v37 =	vadd.s32 $0xFFFFFFFF, v37  }
0x1f2: {  	[tilespmem:s26+$0x0] =	vst v31;
	v36 =	vcvt.s32.f32 v45;
	v29 =	vadd.s32 $0xFFFFFFFF, v34;
	s26 =	sor.u32 s29, s23;
	vm13 =	vgt.s32 v37, $0x0  }
0x1f3: {  	vm15 =	vgt.s32 v27, $0x0;
	v26 =	vld.idx.msk [tilespmem:v26+s6+$0x0], $0xffff;
	vm14 =	vgt.s32 v29, $0x0;
	v37 =	vnsel vm13, $0x0, v37;
	[tilespmem:s26+$0x0] =	vst v47  }
0x1f4: {  	v25 =	vld.idx.msk [tilespmem:v25+s6+$0x0], $0xffff;
	v36 =	vshrl.u32 v36, $0x17;
	v29 =	vnsel vm14, $0x0, v29;
	[tilespmem:s21+$0x0] =	vst v54;
	v57 =	vcvt.s32.f32 v37  }
0x1f5: {  	v27 =	vnsel vm15, $0x0, v27;
	v39 =	vmax.u32 v36, $0x7E;
	v29 =	vcvt.s32.f32 v29;
	v61 =	vld.idx.msk [tilespmem:v53+s6+$0x0], $0xffff;
	[tilespmem:s4+$0x0] =	vst v28  }
0x1f6: {  	[tilespmem:s22+$0x0] =	vst v52;
	v60 =	vcvt.s32.f32 v27;
	v30 =	vadd.s32 $0xFFFFFF82, v39;
	v28 =	vld.idx.msk [tilespmem:v50+s6+$0x0], $0xffff;
	v31 =	vshrl.u32 v57, $0x17  }
0x1f7: {  	s17 =	sor.u32 s28, s19;
	v62 =	vadd.s32 $0x502, v0;
	[tilespmem:s18+$0x0] =	vst v55;
	v29 =	vshrl.u32 v29, $0x17;
	v23 =	vld.idx.msk [tilespmem:v23+s6+$0x0], $0xffff;
	v27 =	vmax.u32 v31, $0x7E  }
0x1f8: {  	v1 =	vmovc v24;
	s9 =	sor.u32 s30, s19;
	[tilespmem:s17+$0x0] =	vst v26;
	v24 =	vmax.u32 v29, $0x7E;
	v29 =	vshrl.u32 v60, $0x17;
	v31 =	vld.idx.msk [tilespmem:v49+s6+$0x0], $0xffff;
	v63 =	vadd.s32 $0xFFFFFF82, v27  }
0x1f9: {  	s18 =	sadd.s32 $0x9500, s2;
	v21 =	vld.idx.msk [tilespmem:v21+s6+$0x0], $0xffff;
	v57 =	vadd.s32 $0xFFFFFF82, v24;
	v51 =	vmax.u32 v29, $0x7E;
	[tilespmem:s9+$0x0] =	vst v25  }
0x1fa: {  	[tilespmem:$0x1FF60] =	vst v1;
	s20 =	sor.u32 s29, s18;
	v29 =	vadd.s32 $0xFFFFFF82, v51;
	v20 =	vld.idx.msk [tilespmem:v12+s6+$0x0], $0xffff  }
0x1fb: {  	v30 =	vld.idx.msk [tilespmem:v30+s6+$0x0], $0xffff;
	[tilespmem:s20+$0x0] =	vst v61  }
0x1fc: {  	v61 =	vld.idx.msk [tilespmem:v62+s6+$0x0], $0xffff;
	[tilespmem:s3+$0x0] =	vst v28  }
0x1fd: {  	s15 =	sor.u32 s31, s19;
	v60 =	vadd.s32 $0x2, v39;
	[tilespmem:s8+$0x0] =	vst v31;
	v62 =	vld.idx.msk [tilespmem:v63+s6+$0x0], $0xffff  }
0x1fe: {  	s10 =	sand.u32 $0x3FFFFC00, s10;
	s24 =	sor.u32 s28, s23;
	[tilespmem:s15+$0x0] =	vst v23;
	v63 =	vadd.s32 $0x582, v0;
	v36 =	vld.idx.msk [tilespmem:v57+s6+$0x0], $0xffff  }
0x1ff: {  	v8 =	vmov v9;
	v9 =	vmov v22;
	s25 =	sor.u32 s30, s23;
	s21 =	sadd.s32 $0x6C00, s10;
	v22 =	vadd.s32 $0x2, v27;
	v29 =	vld.idx.msk [tilespmem:v29+s6+$0x0], $0xffff;
	[tilespmem:s24+$0x0] =	vst v21  }
0x200: {  	s1 =	sor.u32 s31, s23;
	s23 =	sor.u32 s11, s21;
	v37 =	vadd.s32 $0x2, v24;
	s24 =	sadd.s32 $0x9580, s2;
	[tilespmem:s25+$0x0] =	vst v20;
	v57 =	vld.idx.msk [tilespmem:v18+s6+$0x0], $0xffff  }
0x201: {  	v17 =	vmov v58;
	v54 =	vadd.s32 $0x2, v51;
	[tilespmem:s23+$0x0] =	vst v30;
	s25 =	sor.u32 s29, s24;
	v58 =	vld.idx.msk [tilespmem:v59+s6+$0x0], $0xffff  }
0x202: {  	s4 =	sor.u32 s31, s18;
	s22 =	sor.u32 s14, s21;
	v30 =	vld.idx.msk [tilespmem:v60+s6+$0x0], $0xffff;
	[tilespmem:s25+$0x0] =	vst v61  }
0x203: {  	v14 =	vmovc v56;
	v4 =	vadd.s32 $0x602, v0;
	v56 =	vadd.s32 $0x82, v39;
	s17 =	sor.u32 s28, s18;
	v55 =	vadd.s32 $0x82, v24;
	s9 =	sor.u32 s30, s18;
	s18 =	sor.u32 s7, s21;
	[tilespmem:s22+$0x0] =	vst v62;
	v60 =	vld.idx.msk [tilespmem:v63+s6+$0x0], $0xffff  }
0x204: {  	v52 =	vadd.s32 $0x82, v27;
	v53 =	vadd.s32 $0x82, v51;
	v47 =	vadd.s32 $0x102, v51;
	s20 =	sor.u32 s12, s21;
	[tilespmem:s18+$0x0] =	vst v36;
	v61 =	vld.idx.msk [tilespmem:v22+s6+$0x0], $0xffff  }
0x205: {  	v44 =	vadd.s32 $0x182, v51;
	v40 =	vadd.s32 $0x202, v51;
	v33 =	vadd.s32 $0x282, v51;
	[tilespmem:s20+$0x0] =	vst v29;
	v5 =	vld.idx.msk [tilespmem:v37+s6+$0x0], $0xffff  }
0x206: {  	s26 =	sadd.s32 $0x6C80, s10;
	v1 =	vadd.s32 $0x482, v51;
	v3 =	vadd.s32 $0x502, v51;
	v50 =	vadd.s32 $0x582, v51;
	s16 =	sor.u32 s28, s24;
	s8 =	sor.u32 s30, s24;
	v54 =	vld.idx.msk [tilespmem:v54+s6+$0x0], $0xffff;
	[tilespmem:s1+$0x0] =	vst v57  }
0x207: {  	v28 =	vadd.s32 $0x302, v51;
	v23 =	vadd.s32 $0x382, v51;
	v18 =	vadd.s32 $0x402, v51;
	s3 =	sor.u32 s31, s24;
	s23 =	sor.u32 s11, s26;
	s24 =	sadd.s32 $0x9600, s2;
	[tilespmem:s17+$0x0] =	vst v58;
	v57 =	vld.idx.msk [tilespmem:v17+s6+$0x0], $0xffff  }
0x208: {  	s25 =	sor.u32 s29, s24;
	v29 =	vadd.s32 $0x682, v51;
	v37 =	vadd.s32 $0x602, v51;
	v22 =	vadd.s32 $0x702, v51;
	[tilespmem:s23+$0x0] =	vst v30;
	v51 =	vld.idx.msk [tilespmem:v19+s6+$0x0], $0xffff  }
0x209: {  	s22 =	sor.u32 s14, s26;
	v56 =	vld.idx.msk [tilespmem:v56+s6+$0x0], $0xffff;
	[tilespmem:s25+$0x0] =	vst v60  }
0x20a: {  	s21 =	sor.u32 s7, s26;
	v19 =	vmov v1;
	[tilespmem:s22+$0x0] =	vst v61;
	v1 =	vld.idx.msk [tilespmem:v4+s6+$0x0], $0xffff  }
0x20b: {  	s19 =	sor.u32 s12, s26;
	[tilespmem:s21+$0x0] =	vst v5;
	v4 =	vld.idx.msk [tilespmem:v52+s6+$0x0], $0xffff  }
0x20c: {  	v7 =	vadd.s32 $0x102, v39;
	[tilespmem:s19+$0x0] =	vst v54;
	v60 =	vld.idx.msk [tilespmem:v55+s6+$0x0], $0xffff  }
0x20d: {  	v53 =	vld.idx.msk [tilespmem:v53+s6+$0x0], $0xffff  }
0x20e: {  	v46 =	vadd.s32 $0x102, v27;
	s26 =	sadd.s32 $0x6D00, s10;
	[tilespmem:s9+$0x0] =	vst v57;
	v55 =	vld.idx.msk [tilespmem:v15+s6+$0x0], $0xffff  }
0x20f: {  	v48 =	vadd.s32 $0x102, v24;
	v62 =	vadd.s32 $0x502, v27;
	s22 =	sor.u32 s11, s26;
	[tilespmem:s4+$0x0] =	vst v51;
	v52 =	vld [tilespmem:$0x1FF20]  }
0x210: {  	s5 =	sor.u32 s14, s26;
	v15 =	vmov v62;
	[tilespmem:s22+$0x0] =	vst v56;
	v62 =	vld.idx.msk [tilespmem:v14+s6+$0x0], $0xffff  }
0x211: {  	s15 =	sor.u32 s30, s24;
	s17 =	sor.u32 s28, s24;
	s20 =	sor.u32 s12, s26;
	v5 =	vld.idx.msk [tilespmem:v7+s6+$0x0], $0xffff;
	v7 =	vadd.s32 $0x682, v0;
	[tilespmem:s5+$0x0] =	vst v4  }
0x212: {  	s18 =	sor.u32 s7, s26;
	s23 =	sor.u32 s31, s24;
	s24 =	sadd.s32 $0x9680, s2;
	[tilespmem:s20+$0x0] =	vst v53;
	v53 =	vmov v11;
	v11 =	vld [tilespmem:$0x1FF50]  }
0x213: {  	s25 =	sor.u32 s29, s24;
	[tilespmem:s18+$0x0] =	vst v60;
	v4 =	vld.idx.msk [tilespmem:v46+s6+$0x0], $0xffff  }
0x214: {  	v61 =	vadd.s32 $0x182, v39;
	[tilespmem:s25+$0x0] =	vst v1;
	v57 =	vld.idx.msk [tilespmem:v48+s6+$0x0], $0xffff  }
0x215: {  	[tilespmem:s8+$0x0] =	vst v62;
	v62 =	vld.idx.msk [tilespmem:v16+s6+$0x0], $0xffff  }
0x216: {  	v43 =	vadd.s32 $0x182, v27;
	s1 =	sor.u32 s30, s24;
	s26 =	sadd.s32 $0x6D80, s10;
	[tilespmem:s16+$0x0] =	vst v55;
	v1 =	vld.idx.msk [tilespmem:v7+s6+$0x0], $0xffff  }
0x217: {  	s9 =	sor.u32 s28, s24;
	s4 =	sor.u32 s31, s24;
	s24 =	sor.u32 s11, s26;
	v16 =	vmov v3;
	v3 =	vld.idx.msk [tilespmem:v13+s6+$0x0], $0xffff  }
0x218: {  	s5 =	sor.u32 s14, s26;
	v60 =	vld.idx.msk [tilespmem:v47+s6+$0x0], $0xffff;
	[tilespmem:s24+$0x0] =	vst v5;
	v7 =	vadd.s32 $0x702, v0  }
0x219: {  	v45 =	vadd.s32 $0x182, v24;
	v6 =	vadd.s32 $0x582, v24;
	s19 =	sor.u32 s7, s26;
	s25 =	sor.u32 s12, s26;
	s26 =	sadd.s32 $0x9700, s2;
	v5 =	vld.idx.msk [tilespmem:v61+s6+$0x0], $0xffff;
	[tilespmem:s5+$0x0] =	vst v4  }
0x21a: {  	v2 =	vadd.s32 $0x582, v27;
	s18 =	sor.u32 s29, s26;
	v0 =	vmov v39;
	v13 =	vmov v6;
	v6 =	vld [tilespmem:$0x1FF40];
	[tilespmem:s19+$0x0] =	vst v57  }
0x21b: {  	v51 =	vmov v10;
	v10 =	vmov v2;
	v61 =	vadd.s32 $0x202, v0;
	[tilespmem:s18+$0x0] =	vst v1;
	v2 =	vld.idx.msk [tilespmem:v43+s6+$0x0], $0xffff  }
0x21c: {  	s24 =	sadd.s32 $0x6E00, s10;
	[tilespmem:s17+$0x0] =	vst v3;
	v3 =	vld [tilespmem:$0x1FF30]  }
0x21d: {  	s16 =	sor.u32 s11, s24;
	[tilespmem:s25+$0x0] =	vst v60;
	v1 =	vld.idx.msk [tilespmem:v7+s6+$0x0], $0xffff  }
0x21e: {  	[tilespmem:s16+$0x0] =	vst v5;
	v5 =	vld.idx.msk [tilespmem:v45+s6+$0x0], $0xffff  }
0x21f: {  	v42 =	vadd.s32 $0x202, v27;
	v7 =	vld.idx.msk [tilespmem:v44+s6+$0x0], $0xffff  }
0x220: {  	[tilespmem:s3+$0x0] =	vst v62;
	v4 =	vld.idx.msk [tilespmem:v61+s6+$0x0], $0xffff  }
0x221: {  	v49 =	vadd.s32 $0x602, v27;
	s5 =	sor.u32 s14, s24;
	v43 =	vld.idx.msk [tilespmem:v11+s6+$0x0], $0xffff  }
0x222: {  	v11 =	vmov v50;
	v50 =	vmov v9;
	v9 =	vmov v49;
	v49 =	vld [tilespmem:$0x1FF60];
	[tilespmem:s5+$0x0] =	vst v2  }
0x223: {  	p0 =	slt.u32 s13, $0x4C;
	v63 =	vadd.s32 $0x502, v24;
	s20 =	sor.u32 s28, s26;
	s22 =	sor.u32 s30, s26;
	v44 =	vld.idx.msk [tilespmem:v8+s6+$0x0], $0xffff  }
0x224: {  	v56 =	vmov v63;
	s21 =	sor.u32 s31, s26;
	s26 =	sor.u32 s7, s24;
	v63 =	vadd.s32 $0x282, v0;
	s25 =	sadd.s32 $0x9780, s2;
	v45 =	vld.idx.msk [tilespmem:v42+s6+$0x0], $0xffff  }
0x225: {  	v41 =	vadd.s32 $0x202, v24;
	v34 =	vadd.s32 $0x282, v24;
	s24 =	sor.u32 s12, s24;
	s2 =	smov.u32 s10;
	s17 =	sor.u32 s29, s25;
	v3 =	vld.idx.msk [tilespmem:v3+s6+$0x0], $0xffff  }
.Ltmp7:
0x226: {  	v25 =	vadd.s32 $0x382, v24;
	v38 =	vadd.s32 $0x602, v24;
	v35 =	vadd.s32 $0x282, v27;
	s18 =	sor.u32 s28, s25;
	s19 =	sadd.s32 $0x6E80, s2;
	[tilespmem:s17+$0x0] =	vst v1;
	v8 =	vld [tilespmem:$0x1FF70];
	(pc) =	sbr.rel @p0 .LBB2_8-.Ltmp7, $4  }
0x227: {  	v32 =	vadd.s32 $0x302, v27;
	v26 =	vadd.s32 $0x382, v27;
	v59 =	vadd.s32 $0x482, v24;
	s8 =	sor.u32 s30, s25;
	s3 =	sor.u32 s31, s25;
	s25 =	sor.u32 s11, s19;
	[tilespmem:s24+$0x0] =	vst v7;
	v7 =	vld [tilespmem:$0x1FF80]  }
0x228: {  	v12 =	vadd.s32 $0x402, v24;
	v31 =	vadd.s32 $0x302, v24;
	v21 =	vadd.s32 $0x402, v27;
	s28 =	smov.u32 s14;
	[tilespmem:s25+$0x0] =	vst v4;
	v39 =	vld.idx.msk [tilespmem:v40+s6+$0x0], $0xffff  }
0x229: {  	v20 =	vadd.s32 $0x482, v27;
	v36 =	vadd.s32 $0x682, v27;
	v27 =	vadd.s32 $0x702, v27;
	s30 =	smov.u32 s7;
	s29 =	smov.u32 s11;
	s14 =	sor.u32 s28, s19;
	[tilespmem:s26+$0x0] =	vst v5;
	v42 =	vld.idx.msk [tilespmem:v63+s6+$0x0], $0xffff  }
0x22a: {  	v58 =	vmovc v59;
	v59 =	vmovc v20;
	v30 =	vadd.s32 $0x682, v24;
	v24 =	vadd.s32 $0x702, v24;
	s16 =	sor.u32 s12, s19;
	s31 =	smov.u32 s12;
	s17 =	sor.u32 s7, s19;
	v40 =	vadd.s32 $0x302, v0;
	v41 =	vld.idx.msk [tilespmem:v41+s6+$0x0], $0xffff;
	[tilespmem:s15+$0x0] =	vst v3  }
0x22b: {  	_ =	sdelay $0x2  }
0x22c: {  	[tilespmem:s14+$0x0] =	vst v45  }
0x22d: {  	v1 =	vld.idx.msk [tilespmem:v35+s6+$0x0], $0xffff  }
0x22e: {  	s0 =	sadd.s32 $0x6F00, s2  }
0x22f: {  	s5 =	sor.u32 s29, s0;
	[tilespmem:s16+$0x0] =	vst v39  }
0x230: {  	v3 =	vld.idx.msk [tilespmem:v33+s6+$0x0], $0xffff;
	[tilespmem:s5+$0x0] =	vst v42  }
0x231: {  	s14 =	sor.u32 s28, s0;
	[tilespmem:s17+$0x0] =	vst v41;
	v4 =	vld.idx.msk [tilespmem:v40+s6+$0x0], $0xffff  }
0x232: {  	v20 =	vadd.s32 $0x382, v0;
	v2 =	vld.idx.msk [tilespmem:v34+s6+$0x0], $0xffff;
	[tilespmem:s14+$0x0] =	vst v1  }
0x233: {  	v32 =	vld.idx.msk [tilespmem:v32+s6+$0x0], $0xffff  }
0x234: {  	s15 =	sor.u32 s30, s0;
	s0 =	sor.u32 s31, s0;
	s16 =	sadd.s32 $0x6F80, s2  }
0x235: {  	s17 =	sor.u32 s29, s16;
	[tilespmem:s0+$0x0] =	vst v3  }
0x236: {  	v3 =	vld.idx.msk [tilespmem:v28+s6+$0x0], $0xffff;
	[tilespmem:s17+$0x0] =	vst v4  }
0x237: {  	s19 =	sor.u32 s28, s16;
	[tilespmem:s15+$0x0] =	vst v2;
	v1 =	vld.idx.msk [tilespmem:v20+s6+$0x0], $0xffff  }
0x238: {  	v33 =	vadd.s32 $0x402, v0;
	v5 =	vld.idx.msk [tilespmem:v31+s6+$0x0], $0xffff;
	[tilespmem:s19+$0x0] =	vst v32  }
0x239: {  	v34 =	vld.idx.msk [tilespmem:v26+s6+$0x0], $0xffff  }
0x23a: {  	s25 =	sadd.s32 $0x9400, s2;
	s0 =	sor.u32 s31, s16  }
0x23b: {  	s26 =	sor.u32 s29, s25;
	[tilespmem:s0+$0x0] =	vst v3  }
0x23c: {  	s24 =	sor.u32 s30, s16;
	v3 =	vld.idx.msk [tilespmem:v23+s6+$0x0], $0xffff;
	[tilespmem:s26+$0x0] =	vst v1  }
0x23d: {  	s7 =	sor.u32 s28, s25;
	[tilespmem:s24+$0x0] =	vst v5;
	v1 =	vld.idx.msk [tilespmem:v33+s6+$0x0], $0xffff  }
0x23e: {  	v35 =	vadd.s32 $0x482, v0;
	v5 =	vld.idx.msk [tilespmem:v25+s6+$0x0], $0xffff;
	[tilespmem:s7+$0x0] =	vst v34  }
0x23f: {  	v4 =	vld.idx.msk [tilespmem:v21+s6+$0x0], $0xffff  }
0x240: {  	s11 =	sadd.s32 $0x9480, s2;
	s0 =	sor.u32 s31, s25  }
0x241: {  	s12 =	sor.u32 s29, s11;
	[tilespmem:s0+$0x0] =	vst v3  }
0x242: {  	s10 =	sor.u32 s30, s25;
	v3 =	vld.idx.msk [tilespmem:v18+s6+$0x0], $0xffff;
	[tilespmem:s12+$0x0] =	vst v1  }
0x243: {  	s13 =	sor.u32 s28, s11;
	[tilespmem:s10+$0x0] =	vst v5;
	v1 =	vld.idx.msk [tilespmem:v35+s6+$0x0], $0xffff  }
0x244: {  	v39 =	vadd.s32 $0x502, v0;
	v5 =	vld.idx.msk [tilespmem:v12+s6+$0x0], $0xffff;
	[tilespmem:s13+$0x0] =	vst v4  }
0x245: {  	v4 =	vld.idx.msk [tilespmem:v59+s6+$0x0], $0xffff  }
0x246: {  	s15 =	sadd.s32 $0x9500, s2;
	s0 =	sor.u32 s31, s11  }
0x247: {  	s16 =	sor.u32 s29, s15;
	[tilespmem:s0+$0x0] =	vst v3  }
0x248: {  	s14 =	sor.u32 s30, s11;
	v41 =	vld.idx.msk [tilespmem:v19+s6+$0x0], $0xffff;
	[tilespmem:s16+$0x0] =	vst v1  }
0x249: {  	s17 =	sor.u32 s28, s15;
	[tilespmem:s14+$0x0] =	vst v5;
	v1 =	vld.idx.msk [tilespmem:v39+s6+$0x0], $0xffff  }
0x24a: {  	v42 =	vadd.s32 $0x582, v0;
	v40 =	vld.idx.msk [tilespmem:v58+s6+$0x0], $0xffff;
	[tilespmem:s17+$0x0] =	vst v4  }
0x24b: {  	[tilespmem:s23+$0x0] =	vst v43;
	v45 =	vld.idx.msk [tilespmem:v15+s6+$0x0], $0xffff  }
0x24c: {  	v6 =	vld.idx.msk [tilespmem:v6+s6+$0x0], $0xffff;
	[tilespmem:s9+$0x0] =	vst v44;
	s24 =	sadd.s32 $0x9580, s2;
	s0 =	sor.u32 s31, s15  }
0x24d: {  	v7 =	vld.idx.msk [tilespmem:v7+s6+$0x0], $0xffff;
	s25 =	sor.u32 s29, s24;
	[tilespmem:s0+$0x0] =	vst v41  }
0x24e: {  	s19 =	sor.u32 s30, s15;
	v5 =	vld.idx.msk [tilespmem:v16+s6+$0x0], $0xffff;
	[tilespmem:s25+$0x0] =	vst v1  }
0x24f: {  	s26 =	sor.u32 s28, s24;
	[tilespmem:s19+$0x0] =	vst v40;
	v1 =	vld.idx.msk [tilespmem:v42+s6+$0x0], $0xffff  }
0x250: {  	v47 =	vadd.s32 $0x602, v0;
	v46 =	vld.idx.msk [tilespmem:v56+s6+$0x0], $0xffff;
	[tilespmem:s26+$0x0] =	vst v45  }
0x251: {  	[tilespmem:s1+$0x0] =	vst v6;
	v3 =	vld.idx.msk [tilespmem:v10+s6+$0x0], $0xffff  }
0x252: {  	s9 =	sadd.s32 $0x9600, s2;
	v48 =	vld.idx.msk [tilespmem:v52+s6+$0x0], $0xffff;
	[tilespmem:s4+$0x0] =	vst v7;
	s0 =	sor.u32 s31, s24  }
0x253: {  	v52 =	vld.idx.msk [tilespmem:v53+s6+$0x0], $0xffff;
	s10 =	sor.u32 s29, s9;
	[tilespmem:s0+$0x0] =	vst v5  }
0x254: {  	s7 =	sor.u32 s30, s24;
	v5 =	vld.idx.msk [tilespmem:v11+s6+$0x0], $0xffff;
	[tilespmem:s10+$0x0] =	vst v1  }
0x255: {  	s11 =	sor.u32 s28, s9;
	[tilespmem:s7+$0x0] =	vst v46;
	v1 =	vld.idx.msk [tilespmem:v47+s6+$0x0], $0xffff  }
0x256: {  	v53 =	vadd.s32 $0x682, v0;
	v4 =	vld.idx.msk [tilespmem:v13+s6+$0x0], $0xffff;
	[tilespmem:s11+$0x0] =	vst v3  }
0x257: {  	[tilespmem:s20+$0x0] =	vst v48;
	v3 =	vld.idx.msk [tilespmem:v9+s6+$0x0], $0xffff  }
0x258: {  	v54 =	vld.idx.msk [tilespmem:v8+s6+$0x0], $0xffff;
	[tilespmem:s22+$0x0] =	vst v52;
	s13 =	sadd.s32 $0x9680, s2;
	s0 =	sor.u32 s31, s9  }
0x259: {  	v55 =	vld.idx.msk [tilespmem:v51+s6+$0x0], $0xffff;
	s14 =	sor.u32 s29, s13;
	[tilespmem:s0+$0x0] =	vst v5  }
0x25a: {  	s12 =	sor.u32 s30, s9;
	v5 =	vld.idx.msk [tilespmem:v37+s6+$0x0], $0xffff;
	[tilespmem:s14+$0x0] =	vst v1  }
0x25b: {  	s15 =	sor.u32 s28, s13;
	[tilespmem:s12+$0x0] =	vst v4;
	v1 =	vld.idx.msk [tilespmem:v53+s6+$0x0], $0xffff  }
0x25c: {  	v56 =	vadd.s32 $0x702, v0;
	v4 =	vld.idx.msk [tilespmem:v38+s6+$0x0], $0xffff;
	[tilespmem:s15+$0x0] =	vst v3  }
0x25d: {  	[tilespmem:s21+$0x0] =	vst v54;
	v57 =	vld.idx.msk [tilespmem:v36+s6+$0x0], $0xffff  }
0x25e: {  	v60 =	vld.idx.msk [tilespmem:v49+s6+$0x0], $0xffff;
	[tilespmem:s18+$0x0] =	vst v55;
	s17 =	sadd.s32 $0x9700, s2;
	s0 =	sor.u32 s31, s13  }
0x25f: {  	v6 =	vld.idx.msk [tilespmem:v50+s6+$0x0], $0xffff;
	s19 =	sor.u32 s29, s17;
	[tilespmem:s0+$0x0] =	vst v5  }
0x260: {  	s16 =	sor.u32 s30, s13;
	v59 =	vld.idx.msk [tilespmem:v29+s6+$0x0], $0xffff;
	[tilespmem:s19+$0x0] =	vst v1  }
0x261: {  	s20 =	sor.u32 s28, s17;
	[tilespmem:s16+$0x0] =	vst v4;
	v0 =	vld.idx.msk [tilespmem:v56+s6+$0x0], $0xffff  }
0x262: {  	v58 =	vld.idx.msk [tilespmem:v30+s6+$0x0], $0xffff;
	[tilespmem:s20+$0x0] =	vst v57  }
0x263: {  	[tilespmem:s8+$0x0] =	vst v60;
	v61 =	vld.idx.msk [tilespmem:v27+s6+$0x0], $0xffff  }
0x264: {  	s22 =	sadd.s32 $0x9780, s2;
	[tilespmem:s3+$0x0] =	vst v6;
	s0 =	sor.u32 s31, s17  }
0x265: {  	s23 =	sor.u32 s29, s22;
	[tilespmem:s0+$0x0] =	vst v59  }
0x266: {  	s21 =	sor.u32 s30, s17;
	[tilespmem:s23+$0x0] =	vst v0  }
0x267: {  	s24 =	sor.u32 s28, s22;
	[tilespmem:s21+$0x0] =	vst v58  }
0x268: {  	s28 =	rddreg [dreg:$0x2];
	v63 =	vld.idx.msk [tilespmem:v22+s6+$0x0], $0xffff;
	[tilespmem:s24+$0x0] =	vst v61  }
0x269: {  	v62 =	vld.idx.msk [tilespmem:v24+s6+$0x0], $0xffff;
	s3 =	rddreg [dreg:$0x8]  }
0x26a: {  	s25 =	sor.u32 s30, s22;
	s4 =	rddreg [dreg:$0xc]  }
0x26b: {  	s30 =	simm.s32 $0x186A000;
	s26 =	rddreg [dreg:$0xd];
	s3 =	sadd.s32 s3, s4  }
0x26c: {  	s0 =	sor.u32 s31, s22;
	s2 =	smul.u32 $0x500, s26;
	p0 =	sgt.u32 s3, $0x9C3  }
0x26d: {  	s29 =	simm.s32 $0x2800;
	s31 =	simm.s32 $0x6C00;
	[tilespmem:s0+$0x0] =	vst v63;
	s1 =	smul.u32 @!p0 $0x140, s3  }
.Ltmp8:
0x26e: {  	s24 =	rddreg [dreg:$0x0];
	[tilespmem:s25+$0x0] =	vst v62;
	s0 =	sadd.s32 s28, s2;
	(pc) =	sbr.rel .LBB2_10-.Ltmp8, $4  }
0x26f: {  	[hbm4b:s0+s29] =	stream.strided.scatter [tilespmem:s31], [sflag:$0x4], $0x5000, s30, s29, $0x38;
	[tilespmem:$0xBC00] =	vst v63  }
0x270: {  	s2 =	simm.s32 @!p0 $0x1200;
	s0 =	sadd.s32 @!p0 s24, s1;
	s1 =	simm.s32 @!p0 $0x0  }
0x271: {  	[tilespmem:s2], [sflag:$0x2] =	stream.linear.gather @!p0 [hbm4b:s0+s1], $0xA00, $0x38;
	[tilespmem:$0xBC00] =	vst v63  }
0x272: {  	s1 =	rddreg [dreg:$0xb]  }
.LBB2_12:
0x273: {  	_ =	sfence.sel $0x180000  }
0x274: {  	[bflag:$0x0] =	sbarrier.arrive $0xFFFF  }
0x275: {  	_ =	strace $0x90000047  }
0x276: {  	s0 =	stileid.u32;
	[bflag:$0x2] =	sbarrier.arrive $0xFFFF  }
0x277: {  	p0 =	sne.s32 s0, $0x0;
	s0 =	rddreg [dreg:$0x3]  }
0x278: {  	s0 =	sadd.s32 @!p0 $0x100000, s0  }
0x279: {  	[sflag:s0] =	ssyncadd.tile.s32 @!p0 $0x1;
	_ =	shalt  }
.Lfunc_end2:
_tile_overlayer_lowered:
.L_overlay_start_2:
0x27a: {  	(tag) =	ssettag $0x2  }
0x27b: {  	s0 =	rddreg [dreg:$0x0];
	s2 =	stileid.u32  }
0x27c: {  	s1 =	rddreg [dreg:$0x1];
	p0 =	sne.s32 s2, $0x0  }
0x27d: {  	s3 =	rddreg [dreg:$0x2];
	[bflag:$0x3] =	sbarrier.arrive $0xFFFF;
	s2 =	simm.s32 @!p0 $0x1C05  }
0x27e: {  	[timem:s3], [sflag:s2] =	dma.local @!p0 [hbm:s0], s1  }
0x27f: {  	s0 =	simm.s32 @!p0 $0x5  }
0x280: {  	_ =	swait.ge @!p0 [sflag:s0], s1  }
0x281: {  	s1 =	ssub.s32 @!p0 $0x0, s1;
	[sflag:s0] =	ssyncset.done @!p0 $0x0  }
0x282: {  	[sflag:s0] =	ssyncadd.s32 @!p0 s1  }
0x283: {  	[bflag:$0x3] =	sbarrier.arrive $0xFFFF  }
0x284: {  	_ =	shalt  }

</sc_bundles>
